<compile_context>
chip_gen: v7x
topology: tpu7x:2x2x1
jax: 0.10.2.dev20260603
libtpu: 0.0.44.dev20260713+nightly
codegen_flags: <defaults>
</compile_context>

<pallas_src>
import functools

import jax
import jax.numpy as jnp
from jax import lax
from jax.experimental import pallas as pl
from jax.experimental.pallas import tpu as pltpu
from jax.experimental.pallas import tpu_sc as plsc

NC = 2
NS = 16
LANES = 16
NBUF = 2


@functools.lru_cache(maxsize=None)
def _make_sc_scatter(N, E, D):
    NW = NC * NS
    assert E % NW == 0, E
    e_per_w = E // NW
    CH = 128
    n_ch = e_per_w // CH
    CT = e_per_w - n_ch * CH
    assert CT % 8 == 0, CT
    ZCH = 64
    n_pad = -(-N // (NS * CH)) * (NS * CH)
    z_per_tile = n_pad // NS
    n_z = z_per_tile // ZCH

    mesh = plsc.VectorSubcoreMesh(core_axis_name="c", subcore_axis_name="s")

    @functools.partial(
        pl.kernel,
        out_type=(
            jax.ShapeDtypeStruct((n_pad, D), jnp.float32),
            jax.ShapeDtypeStruct((n_pad, D), jnp.float32),
        ),
        mesh=mesh,
        scratch_types=[
            pltpu.VMEM_SHARED((n_pad, D), jnp.float32),
            [pltpu.VMEM((CH, D), jnp.float32) for _ in range(NBUF)],
            [pltpu.VMEM((CH,), jnp.int32) for _ in range(NBUF)],
            [pltpu.VMEM((CH,), jnp.int32) for _ in range(NBUF)],
            [pltpu.SemaphoreType.DMA for _ in range(NBUF)],
            [pltpu.SemaphoreType.DMA for _ in range(NBUF)],
            pltpu.VMEM((CT, D), jnp.float32),
            pltpu.VMEM((CT,), jnp.int32),
            pltpu.VMEM((CT,), jnp.int32),
            pltpu.VMEM((ZCH, D), jnp.float32),
            pltpu.SemaphoreType.DMA,
        ],
    )
    def sc_scatter(e_hbm, src_hbm, dst_hbm, out0_hbm, out1_hbm, acc,
                   e_v, si_v, di_v, lsem, ssem, et_v, sit_v, dit_v, zbuf, zsem):
        c = lax.axis_index("c")
        s = lax.axis_index("s")
        wid = c * NS + s
        base0 = wid * e_per_w

        def start_load(b, chunk):
            base = base0 + chunk * CH
            pltpu.async_copy(src_hbm.at[pl.ds(base, CH)], si_v[b], lsem[b])
            pltpu.async_copy(dst_hbm.at[pl.ds(base, CH)], di_v[b], lsem[b])
            pltpu.async_copy(e_hbm.at[pl.ds(base, CH)], e_v[b], lsem[b])

        def wait_load(b):
            pltpu.make_async_copy(src_hbm.at[pl.ds(base0, CH)], si_v[b], lsem[b]).wait()
            pltpu.make_async_copy(dst_hbm.at[pl.ds(base0, CH)], di_v[b], lsem[b]).wait()
            pltpu.make_async_copy(e_hbm.at[pl.ds(base0, CH)], e_v[b], lsem[b]).wait()

        def start_scatter(b):
            pltpu.async_copy(e_v[b], acc.at[si_v[b]], ssem[b], add=True)
            pltpu.async_copy(e_v[b], acc.at[di_v[b]], ssem[b], add=True)

        def wait_scatter(b):
            pltpu.make_async_copy(e_v[b], acc.at[si_v[b]], ssem[b]).wait()
            pltpu.make_async_copy(e_v[b], acc.at[di_v[b]], ssem[b]).wait()

        start_load(0, 0)
        start_load(1, 1)

        def zrow(i, carry):
            for j in range(D // LANES):
                zbuf[i, pl.ds(j * LANES, LANES)] = jnp.zeros((LANES,), jnp.float32)
            return carry

        lax.fori_loop(0, ZCH, zrow, 0)
        zbase = s * z_per_tile

        def zstart(i, carry):
            pltpu.async_copy(zbuf, acc.at[pl.ds(zbase + i * ZCH, ZCH)], zsem)
            return carry

        lax.fori_loop(0, n_z, zstart, 0)

        def zwait(i, carry):
            pltpu.make_async_copy(zbuf, acc.at[pl.ds(zbase, ZCH)], zsem).wait()
            return carry

        lax.fori_loop(0, n_z, zwait, 0)
        plsc.subcore_barrier()

        def slot(i, first, last):
            b = i % 2
            wait_load(b)
            start_scatter(b)
            if not first:
                wait_scatter(1 - b)
            if not last:
                start_load(1 - b, i + 1)

        wait_load(0)
        start_scatter(0)

        n_main = (n_ch - 1 - 1) // 2

        def step(g, carry):
            for k in range(2):
                i = 1 + 2 * g + k
                b = (1 + k) % 2
                wait_load(b)
                start_scatter(b)
                wait_scatter(1 - b)
                start_load(1 - b, i + 1)
            return carry

        lax.fori_loop(0, n_main, step, 0)
        for i in range(1 + n_main * 2, n_ch):
            slot(i, False, i + 1 >= n_ch)
        if CT:
            tbase = base0 + n_ch * CH
            pltpu.sync_copy(src_hbm.at[pl.ds(tbase, CT)], sit_v)
            pltpu.sync_copy(dst_hbm.at[pl.ds(tbase, CT)], dit_v)
            pltpu.sync_copy(e_hbm.at[pl.ds(tbase, CT)], et_v)
        wait_scatter((n_ch - 1) % 2)
        if CT:
            pltpu.sync_copy(et_v, acc.at[sit_v], add=True)
            pltpu.sync_copy(et_v, acc.at[dit_v], add=True)
        plsc.subcore_barrier()

        row_slice = pl.ds(s * z_per_tile, z_per_tile)

        @pl.when(c == 0)
        def _():
            pltpu.sync_copy(acc.at[row_slice], out0_hbm.at[row_slice])

        @pl.when(c == 1)
        def _():
            pltpu.sync_copy(acc.at[row_slice], out1_hbm.at[row_slice])

    return sc_scatter


@functools.lru_cache(maxsize=None)
def _make_tc_matmul_a(N, D):
    BN = 2000
    assert N % BN == 0

    def mm(v_ref, w0_ref, b_ref, o_ref):
        o_ref[...] = (
            jnp.dot(v_ref[...], w0_ref[...], preferred_element_type=jnp.float32)
            + b_ref[...]
        )

    return pl.pallas_call(
        mm,
        grid=(N // BN,),
        in_specs=[
            pl.BlockSpec((BN, D), lambda i: (i, 0)),
            pl.BlockSpec((D, D), lambda i: (0, 0)),
            pl.BlockSpec((1, D), lambda i: (0, 0)),
        ],
        out_specs=pl.BlockSpec((BN, D), lambda i: (i, 0)),
        out_shape=jax.ShapeDtypeStruct((N, D), jnp.float32),
    )


@functools.lru_cache(maxsize=None)
def _make_tc_matmul_b(N, D):
    BN = 2000
    assert N % BN == 0

    def mm(a_ref, p0_ref, p1_ref, w1_ref, o_ref):
        v1 = p0_ref[...] + p1_ref[...]
        o_ref[...] = a_ref[...] + jnp.dot(
            v1, w1_ref[...], preferred_element_type=jnp.float32)

    return pl.pallas_call(
        mm,
        grid=(N // BN,),
        in_specs=[
            pl.BlockSpec((BN, D), lambda i: (i, 0)),
            pl.BlockSpec((BN, D), lambda i: (i, 0)),
            pl.BlockSpec((BN, D), lambda i: (i, 0)),
            pl.BlockSpec((D, D), lambda i: (0, 0)),
        ],
        out_specs=pl.BlockSpec((BN, D), lambda i: (i, 0)),
        out_shape=jax.ShapeDtypeStruct((N, D), jnp.float32),
    )


def kernel(e, v, edges, W, b):
    E, D = e.shape
    N = v.shape[0]
    src = edges[:, 0]
    dst = edges[:, 1]
    p0, p1 = _make_sc_scatter(N, E, D)(e, src, dst)
    mm_a = _make_tc_matmul_a(N, D)(v, W[:D], b.reshape(1, D))
    return _make_tc_matmul_b(N, D)(mm_a, p0, p1, W[D:])

# --- scband reference (transcript-rebuilt; emitter-appended) ---
"""Pipeline reference for scband-node-block-90623809945606 (READ-ONLY COPY).

The authoritative reference and input builder live on the scoring server;
editing this copy changes nothing except your own understanding.
"""

import jax, jax.numpy as jnp
import numpy as np

N = 10000
E = 320000
D = 128

def setup_inputs(seed: int = 0) -> dict:
    key = jax.random.key(seed)
    k1, k2, k3, k4 = jax.random.split(key, 4)
    e = jax.random.normal(k1, (E, D), dtype=jnp.float32)
    v = jax.random.normal(k2, (N, D), dtype=jnp.float32)
    edges = jax.random.randint(k3, (E, 2), 0, N, dtype=jnp.int32)
    # params of custom_func = Linear(2*D -> D)
    W = jax.random.normal(k4, (2 * D, D), dtype=jnp.float32) * (1.0 / np.sqrt(2 * D))
    b = jnp.zeros((D,), dtype=jnp.float32)
    return {"e": e, "v": v, "edges": edges, "W": W, "b": b}

def reference(e, v, edges, W, b):
    # v1 = zeros[N, d_e]; scatter_add e by src column, then by dst column (both accumulate into v1)
    v1 = jnp.zeros((v.shape[0], e.shape[1]), dtype=e.dtype)
    v1 = v1.at[edges[:, 0]].add(e)
    v1 = v1.at[edges[:, 1]].add(e)
    v2 = jnp.concatenate([v, v1], axis=1)
    v3 = v2 @ W + b
    return v3

if __name__ == "__main__":
    import jax
    _d = setup_inputs()
    print(jax.jit(kernel)(*tuple(_d.values())))

</pallas_src>

<mosaic_0001>
#map = affine_map<(d0, d1) -> (0, 0)>
#map1 = affine_map<(d0, d1) -> (0)>
module attributes {stable_mosaic.version = 14 : i64} {
  func.func @sc_scatter(%arg0: i32, %arg1: i32, %arg2: memref<320000x128xf32, #tpu.memory_space<hbm>>, %arg3: memref<320000xi32, #tpu.memory_space<hbm>>, %arg4: memref<320000xi32, #tpu.memory_space<hbm>>, %arg5: memref<10240x128xf32, #tpu.memory_space<hbm>>, %arg6: memref<10240x128xf32, #tpu.memory_space<hbm>>, %arg7: memref<10240x128xf32, #tpu.memory_space<vmem_shared>>, %arg8: memref<128x128xf32, #tpu.memory_space<vmem>>, %arg9: memref<128x128xf32, #tpu.memory_space<vmem>>, %arg10: memref<128xi32, #tpu.memory_space<vmem>>, %arg11: memref<128xi32, #tpu.memory_space<vmem>>, %arg12: memref<128xi32, #tpu.memory_space<vmem>>, %arg13: memref<128xi32, #tpu.memory_space<vmem>>, %arg14: memref<!tpu.dma_semaphore, #tpu.memory_space<semaphore_mem>>, %arg15: memref<!tpu.dma_semaphore, #tpu.memory_space<semaphore_mem>>, %arg16: memref<!tpu.dma_semaphore, #tpu.memory_space<semaphore_mem>>, %arg17: memref<!tpu.dma_semaphore, #tpu.memory_space<semaphore_mem>>, %arg18: memref<16x128xf32, #tpu.memory_space<vmem>>, %arg19: memref<16xi32, #tpu.memory_space<vmem>>, %arg20: memref<16xi32, #tpu.memory_space<vmem>>, %arg21: memref<64x128xf32, #tpu.memory_space<vmem>>, %arg22: memref<!tpu.dma_semaphore, #tpu.memory_space<semaphore_mem>>) attributes {dimension_semantics = [#tpu.dimension_semantics<core_parallel>, #tpu.dimension_semantics<subcore_parallel>], iteration_bounds = array<i64: 2, 16>, scalar_prefetch = 0 : i64, scratch_operands = 16 : i64, tpu.core_type = #tpu.core_type<sc_vector_subcore>, window_params = [{transform_indices = #map}, {transform_indices = #map1}, {transform_indices = #map1}, {transform_indices = #map}, {transform_indices = #map}]} {
    %mul3A = arith.constant 16 : i32
    %mul3A_0 = arith.muli %arg0, %mul3A : i32
    %add3A = arith.addi %mul3A_0, %arg1 : i32
    %mul3A_1 = arith.constant 10000 : i32
    %mul3A_2 = arith.muli %add3A, %mul3A_1 : i32
    %add3A_3 = arith.constant 0 : i32
    %add3A_4 = arith.addi %mul3A_2, %add3A_3 : i32
    %dma_start3A = tpu.memref_slice %arg3[%add3A_4] : memref<320000xi32, #tpu.memory_space<hbm>> -> memref<128xi32, #tpu.memory_space<hbm>>
    %dma_start3A_5 = tpu.memref_slice %arg3[%add3A_4] : memref<320000xi32, #tpu.memory_space<hbm>> -> memref<128xi32, #tpu.memory_space<hbm>>
    tpu.enqueue_dma source(%dma_start3A_5 : memref<128xi32, #tpu.memory_space<hbm>>) target(%arg10 : memref<128xi32, #tpu.memory_space<vmem>>) target_semaphore(%arg14 : memref<!tpu.dma_semaphore, #tpu.memory_space<semaphore_mem>>)
    %dma_start3A_6 = tpu.memref_slice %arg4[%add3A_4] : memref<320000xi32, #tpu.memory_space<hbm>> -> memref<128xi32, #tpu.memory_space<hbm>>
    %dma_start3A_7 = tpu.memref_slice %arg4[%add3A_4] : memref<320000xi32, #tpu.memory_space<hbm>> -> memref<128xi32, #tpu.memory_space<hbm>>
    tpu.enqueue_dma source(%dma_start3A_7 : memref<128xi32, #tpu.memory_space<hbm>>) target(%arg12 : memref<128xi32, #tpu.memory_space<vmem>>) target_semaphore(%arg14 : memref<!tpu.dma_semaphore, #tpu.memory_space<semaphore_mem>>)
    %dma_start3A_8 = arith.constant 0 : i32
    %dma_start3A_9 = tpu.memref_slice %arg2[%add3A_4, %dma_start3A_8] : memref<320000x128xf32, #tpu.memory_space<hbm>> -> memref<128x128xf32, #tpu.memory_space<hbm>>
    %dma_start3A_10 = arith.constant 0 : i32
    %dma_start3A_11 = tpu.memref_slice %arg2[%add3A_4, %dma_start3A_10] : memref<320000x128xf32, #tpu.memory_space<hbm>> -> memref<128x128xf32, #tpu.memory_space<hbm>>
    tpu.enqueue_dma source(%dma_start3A_11 : memref<128x128xf32, #tpu.memory_space<hbm>>) target(%arg8 : memref<128x128xf32, #tpu.memory_space<vmem>>) target_semaphore(%arg14 : memref<!tpu.dma_semaphore, #tpu.memory_space<semaphore_mem>>)
    %add3A_12 = arith.constant 128 : i32
    %add3A_13 = arith.addi %mul3A_2, %add3A_12 : i32
    %dma_start3A_14 = tpu.memref_slice %arg3[%add3A_13] : memref<320000xi32, #tpu.memory_space<hbm>> -> memref<128xi32, #tpu.memory_space<hbm>>
    %dma_start3A_15 = tpu.memref_slice %arg3[%add3A_13] : memref<320000xi32, #tpu.memory_space<hbm>> -> memref<128xi32, #tpu.memory_space<hbm>>
    tpu.enqueue_dma source(%dma_start3A_15 : memref<128xi32, #tpu.memory_space<hbm>>) target(%arg11 : memref<128xi32, #tpu.memory_space<vmem>>) target_semaphore(%arg15 : memref<!tpu.dma_semaphore, #tpu.memory_space<semaphore_mem>>)
    %dma_start3A_16 = tpu.memref_slice %arg4[%add3A_13] : memref<320000xi32, #tpu.memory_space<hbm>> -> memref<128xi32, #tpu.memory_space<hbm>>
    %dma_start3A_17 = tpu.memref_slice %arg4[%add3A_13] : memref<320000xi32, #tpu.memory_space<hbm>> -> memref<128xi32, #tpu.memory_space<hbm>>
    tpu.enqueue_dma source(%dma_start3A_17 : memref<128xi32, #tpu.memory_space<hbm>>) target(%arg13 : memref<128xi32, #tpu.memory_space<vmem>>) target_semaphore(%arg15 : memref<!tpu.dma_semaphore, #tpu.memory_space<semaphore_mem>>)
    %dma_start3A_18 = arith.constant 0 : i32
    %dma_start3A_19 = tpu.memref_slice %arg2[%add3A_13, %dma_start3A_18] : memref<320000x128xf32, #tpu.memory_space<hbm>> -> memref<128x128xf32, #tpu.memory_space<hbm>>
    %dma_start3A_20 = arith.constant 0 : i32
    %dma_start3A_21 = tpu.memref_slice %arg2[%add3A_13, %dma_start3A_20] : memref<320000x128xf32, #tpu.memory_space<hbm>> -> memref<128x128xf32, #tpu.memory_space<hbm>>
    tpu.enqueue_dma source(%dma_start3A_21 : memref<128x128xf32, #tpu.memory_space<hbm>>) target(%arg9 : memref<128x128xf32, #tpu.memory_space<vmem>>) target_semaphore(%arg15 : memref<!tpu.dma_semaphore, #tpu.memory_space<semaphore_mem>>)
    %scan3A = arith.constant 0 : i32
    %scan3A_22 = arith.constant 0 : i32
    %scan3A_23 = arith.constant 64 : i32
    %scan3A_24 = arith.addi %scan3A_22, %scan3A_23 : i32
    %scan3A_25 = arith.constant 1 : i32
    scf.for %scan3A_98 = %scan3A_22 to %scan3A_24 step %scan3A_25  : i32 {
      %broadcast_in_dim3A = arith.constant 0.000000e+00 : f32
      %broadcast_in_dim3A_99 = vector.broadcast %broadcast_in_dim3A : f32 to vector<16xf32>
      %swap3A = arith.index_cast %scan3A_98 : i32 to index
      %swap3A_100 = arith.constant 0 : index
      %swap3A_101 = tpu.vector_load %arg21[%swap3A, %swap3A_100] {strides = array<i32>} : memref<64x128xf32, #tpu.memory_space<vmem>>, vector<1x16xf32>,
      %swap3A_102 = vector.shape_cast %swap3A_101 : vector<1x16xf32> to vector<16xf32>
      %swap3A_103 = vector.shape_cast %broadcast_in_dim3A_99 : vector<16xf32> to vector<1x16xf32>
      tpu.vector_store %arg21[%swap3A, %swap3A_100], %swap3A_103 {strides = array<i32>} : memref<64x128xf32, #tpu.memory_space<vmem>>, vector<1x16xf32>,
      %broadcast_in_dim3A_104 = arith.constant 0.000000e+00 : f32
      %broadcast_in_dim3A_105 = vector.broadcast %broadcast_in_dim3A_104 : f32 to vector<16xf32>
      %swap3A_106 = arith.index_cast %scan3A_98 : i32 to index
      %swap3A_107 = arith.constant 16 : index
      %swap3A_108 = tpu.vector_load %arg21[%swap3A_106, %swap3A_107] {strides = array<i32>} : memref<64x128xf32, #tpu.memory_space<vmem>>, vector<1x16xf32>,
      %swap3A_109 = vector.shape_cast %swap3A_108 : vector<1x16xf32> to vector<16xf32>
      %swap3A_110 = vector.shape_cast %broadcast_in_dim3A_105 : vector<16xf32> to vector<1x16xf32>
      tpu.vector_store %arg21[%swap3A_106, %swap3A_107], %swap3A_110 {strides = array<i32>} : memref<64x128xf32, #tpu.memory_space<vmem>>, vector<1x16xf32>,
      %broadcast_in_dim3A_111 = arith.constant 0.000000e+00 : f32
      %broadcast_in_dim3A_112 = vector.broadcast %broadcast_in_dim3A_111 : f32 to vector<16xf32>
      %swap3A_113 = arith.index_cast %scan3A_98 : i32 to index
      %swap3A_114 = arith.constant 32 : index
      %swap3A_115 = tpu.vector_load %arg21[%swap3A_113, %swap3A_114] {strides = array<i32>} : memref<64x128xf32, #tpu.memory_space<vmem>>, vector<1x16xf32>,
      %swap3A_116 = vector.shape_cast %swap3A_115 : vector<1x16xf32> to vector<16xf32>
      %swap3A_117 = vector.shape_cast %broadcast_in_dim3A_112 : vector<16xf32> to vector<1x16xf32>
      tpu.vector_store %arg21[%swap3A_113, %swap3A_114], %swap3A_117 {strides = array<i32>} : memref<64x128xf32, #tpu.memory_space<vmem>>, vector<1x16xf32>,
      %broadcast_in_dim3A_118 = arith.constant 0.000000e+00 : f32
      %broadcast_in_dim3A_119 = vector.broadcast %broadcast_in_dim3A_118 : f32 to vector<16xf32>
      %swap3A_120 = arith.index_cast %scan3A_98 : i32 to index
      %swap3A_121 = arith.constant 48 : index
      %swap3A_122 = tpu.vector_load %arg21[%swap3A_120, %swap3A_121] {strides = array<i32>} : memref<64x128xf32, #tpu.memory_space<vmem>>, vector<1x16xf32>,
      %swap3A_123 = vector.shape_cast %swap3A_122 : vector<1x16xf32> to vector<16xf32>
      %swap3A_124 = vector.shape_cast %broadcast_in_dim3A_119 : vector<16xf32> to vector<1x16xf32>
      tpu.vector_store %arg21[%swap3A_120, %swap3A_121], %swap3A_124 {strides = array<i32>} : memref<64x128xf32, #tpu.memory_space<vmem>>, vector<1x16xf32>,
      %broadcast_in_dim3A_125 = arith.constant 0.000000e+00 : f32
      %broadcast_in_dim3A_126 = vector.broadcast %broadcast_in_dim3A_125 : f32 to vector<16xf32>
      %swap3A_127 = arith.index_cast %scan3A_98 : i32 to index
      %swap3A_128 = arith.constant 64 : index
      %swap3A_129 = tpu.vector_load %arg21[%swap3A_127, %swap3A_128] {strides = array<i32>} : memref<64x128xf32, #tpu.memory_space<vmem>>, vector<1x16xf32>,
      %swap3A_130 = vector.shape_cast %swap3A_129 : vector<1x16xf32> to vector<16xf32>
      %swap3A_131 = vector.shape_cast %broadcast_in_dim3A_126 : vector<16xf32> to vector<1x16xf32>
      tpu.vector_store %arg21[%swap3A_127, %swap3A_128], %swap3A_131 {strides = array<i32>} : memref<64x128xf32, #tpu.memory_space<vmem>>, vector<1x16xf32>,
      %broadcast_in_dim3A_132 = arith.constant 0.000000e+00 : f32
      %broadcast_in_dim3A_133 = vector.broadcast %broadcast_in_dim3A_132 : f32 to vector<16xf32>
      %swap3A_134 = arith.index_cast %scan3A_98 : i32 to index
      %swap3A_135 = arith.constant 80 : index
      %swap3A_136 = tpu.vector_load %arg21[%swap3A_134, %swap3A_135] {strides = array<i32>} : memref<64x128xf32, #tpu.memory_space<vmem>>, vector<1x16xf32>,
      %swap3A_137 = vector.shape_cast %swap3A_136 : vector<1x16xf32> to vector<16xf32>
      %swap3A_138 = vector.shape_cast %broadcast_in_dim3A_133 : vector<16xf32> to vector<1x16xf32>
      tpu.vector_store %arg21[%swap3A_134, %swap3A_135], %swap3A_138 {strides = array<i32>} : memref<64x128xf32, #tpu.memory_space<vmem>>, vector<1x16xf32>,
      %broadcast_in_dim3A_139 = arith.constant 0.000000e+00 : f32
      %broadcast_in_dim3A_140 = vector.broadcast %broadcast_in_dim3A_139 : f32 to vector<16xf32>
      %swap3A_141 = arith.index_cast %scan3A_98 : i32 to index
      %swap3A_142 = arith.constant 96 : index
      %swap3A_143 = tpu.vector_load %arg21[%swap3A_141, %swap3A_142] {strides = array<i32>} : memref<64x128xf32, #tpu.memory_space<vmem>>, vector<1x16xf32>,
      %swap3A_144 = vector.shape_cast %swap3A_143 : vector<1x16xf32> to vector<16xf32>
      %swap3A_145 = vector.shape_cast %broadcast_in_dim3A_140 : vector<16xf32> to vector<1x16xf32>
      tpu.vector_store %arg21[%swap3A_141, %swap3A_142], %swap3A_145 {strides = array<i32>} : memref<64x128xf32, #tpu.memory_space<vmem>>, vector<1x16xf32>,
      %broadcast_in_dim3A_146 = arith.constant 0.000000e+00 : f32
      %broadcast_in_dim3A_147 = vector.broadcast %broadcast_in_dim3A_146 : f32 to vector<16xf32>
      %swap3A_148 = arith.index_cast %scan3A_98 : i32 to index
      %swap3A_149 = arith.constant 112 : index
      %swap3A_150 = tpu.vector_load %arg21[%swap3A_148, %swap3A_149] {strides = array<i32>} : memref<64x128xf32, #tpu.memory_space<vmem>>, vector<1x16xf32>,
      %swap3A_151 = vector.shape_cast %swap3A_150 : vector<1x16xf32> to vector<16xf32>
      %swap3A_152 = vector.shape_cast %broadcast_in_dim3A_147 : vector<16xf32> to vector<1x16xf32>
      tpu.vector_store %arg21[%swap3A_148, %swap3A_149], %swap3A_152 {strides = array<i32>} : memref<64x128xf32, #tpu.memory_space<vmem>>, vector<1x16xf32>,
    }
    %scan3A_26 = arith.constant 64 : i32
    %mul3A_27 = arith.constant 640 : i32
    %mul3A_28 = arith.muli %arg1, %mul3A_27 : i32
    %scan3A_29 = arith.constant 0 : i32
    %scan3A_30 = arith.constant 0 : i32
    %scan3A_31 = arith.constant 10 : i32
    %scan3A_32 = arith.addi %scan3A_30, %scan3A_31 : i32
    %scan3A_33 = arith.constant 1 : i32
    scf.for %scan3A_98 = %scan3A_30 to %scan3A_32 step %scan3A_33  : i32 {
      %mul3A_99 = arith.constant 64 : i32
      %mul3A_100 = arith.muli %scan3A_98, %mul3A_99 : i32
      %add3A_101 = arith.addi %mul3A_28, %mul3A_100 : i32
      %dma_start3A_102 = arith.constant 0 : i32
      %dma_start3A_103 = tpu.memref_slice %arg7[%add3A_101, %dma_start3A_102] : memref<10240x128xf32, #tpu.memory_space<vmem_shared>> -> memref<64x128xf32, #tpu.memory_space<vmem_shared>>
      %dma_start3A_104 = arith.constant 0 : i32
      %dma_start3A_105 = tpu.memref_slice %arg7[%add3A_101, %dma_start3A_104] : memref<10240x128xf32, #tpu.memory_space<vmem_shared>> -> memref<64x128xf32, #tpu.memory_space<vmem_shared>>
      tpu.enqueue_dma source(%arg21 : memref<64x128xf32, #tpu.memory_space<vmem>>) target(%dma_start3A_105 : memref<64x128xf32, #tpu.memory_space<vmem_shared>>) target_semaphore(%arg22 : memref<!tpu.dma_semaphore, #tpu.memory_space<semaphore_mem>>)
    }
    %scan3A_34 = arith.constant 10 : i32
    %scan3A_35 = arith.constant 0 : i32
    %scan3A_36 = arith.constant 0 : i32
    %scan3A_37 = arith.constant 10 : i32
    %scan3A_38 = arith.addi %scan3A_36, %scan3A_37 : i32
    %scan3A_39 = arith.constant 1 : i32
    scf.for %scan3A_98 = %scan3A_36 to %scan3A_38 step %scan3A_39  : i32 {
      %dma_wait3A_99 = arith.constant 0 : i32
      %dma_wait3A_100 = tpu.memref_slice %arg7[%mul3A_28, %dma_wait3A_99] : memref<10240x128xf32, #tpu.memory_space<vmem_shared>> -> memref<64x128xf32, #tpu.memory_space<vmem_shared>>
      %dma_wait3A_101 = arith.constant 0 : i32
      %dma_wait3A_102 = tpu.memref_slice %arg7[%mul3A_28, %dma_wait3A_101] : memref<10240x128xf32, #tpu.memory_space<vmem_shared>> -> memref<64x128xf32, #tpu.memory_space<vmem_shared>>
      tpu.wait_dma2 semaphore(%arg22 : memref<!tpu.dma_semaphore, #tpu.memory_space<semaphore_mem>>) src(%arg21 : memref<64x128xf32, #tpu.memory_space<vmem>>) dst(%dma_wait3A_102 : memref<64x128xf32, #tpu.memory_space<vmem_shared>>)
    }
    %scan3A_40 = arith.constant 10 : i32
    %barrier3A = arith.constant 0 : index
    tpu.barrier barrier_id(%barrier3A)
    %dma_wait3A = tpu.memref_slice %arg3[%mul3A_2] : memref<320000xi32, #tpu.memory_space<hbm>> -> memref<128xi32, #tpu.memory_space<hbm>>
    %dma_wait3A_41 = tpu.memref_slice %arg3[%mul3A_2] : memref<320000xi32, #tpu.memory_space<hbm>> -> memref<128xi32, #tpu.memory_space<hbm>>
    tpu.wait_dma2 semaphore(%arg14 : memref<!tpu.dma_semaphore, #tpu.memory_space<semaphore_mem>>) src(%dma_wait3A_41 : memref<128xi32, #tpu.memory_space<hbm>>) dst(%arg10 : memref<128xi32, #tpu.memory_space<vmem>>)
    %dma_wait3A_42 = tpu.memref_slice %arg4[%mul3A_2] : memref<320000xi32, #tpu.memory_space<hbm>> -> memref<128xi32, #tpu.memory_space<hbm>>
    %dma_wait3A_43 = tpu.memref_slice %arg4[%mul3A_2] : memref<320000xi32, #tpu.memory_space<hbm>> -> memref<128xi32, #tpu.memory_space<hbm>>
    tpu.wait_dma2 semaphore(%arg14 : memref<!tpu.dma_semaphore, #tpu.memory_space<semaphore_mem>>) src(%dma_wait3A_43 : memref<128xi32, #tpu.memory_space<hbm>>) dst(%arg12 : memref<128xi32, #tpu.memory_space<vmem>>)
    %dma_wait3A_44 = arith.constant 0 : i32
    %dma_wait3A_45 = tpu.memref_slice %arg2[%mul3A_2, %dma_wait3A_44] : memref<320000x128xf32, #tpu.memory_space<hbm>> -> memref<128x128xf32, #tpu.memory_space<hbm>>
    %dma_wait3A_46 = arith.constant 0 : i32
    %dma_wait3A_47 = tpu.memref_slice %arg2[%mul3A_2, %dma_wait3A_46] : memref<320000x128xf32, #tpu.memory_space<hbm>> -> memref<128x128xf32, #tpu.memory_space<hbm>>
    tpu.wait_dma2 semaphore(%arg14 : memref<!tpu.dma_semaphore, #tpu.memory_space<semaphore_mem>>) src(%dma_wait3A_47 : memref<128x128xf32, #tpu.memory_space<hbm>>) dst(%arg8 : memref<128x128xf32, #tpu.memory_space<vmem>>)
    %dma_start3A_48 = arith.constant 0 : i32
    %dma_start3A_49 = arith.constant 0 : i32
    %dma_start3A_50 = tpu.memref_slice %arg7[%dma_start3A_48, %dma_start3A_49] : memref<10240x128xf32, #tpu.memory_space<vmem_shared>> -> memref<10240x128xf32, #tpu.memory_space<vmem_shared>>
    tpu.enqueue_indirect_dma source(%arg8 : memref<128x128xf32, #tpu.memory_space<vmem>>) target(%dma_start3A_50 : memref<10240x128xf32, #tpu.memory_space<vmem_shared>>) offsets(%arg10 : memref<128xi32, #tpu.memory_space<vmem>>) semaphore(%arg16 : memref<!tpu.dma_semaphore, #tpu.memory_space<semaphore_mem>>) {add = true}
    %dma_start3A_51 = arith.constant 0 : i32
    %dma_start3A_52 = arith.constant 0 : i32
    %dma_start3A_53 = tpu.memref_slice %arg7[%dma_start3A_51, %dma_start3A_52] : memref<10240x128xf32, #tpu.memory_space<vmem_shared>> -> memref<10240x128xf32, #tpu.memory_space<vmem_shared>>
    tpu.enqueue_indirect_dma source(%arg8 : memref<128x128xf32, #tpu.memory_space<vmem>>) target(%dma_start3A_53 : memref<10240x128xf32, #tpu.memory_space<vmem_shared>>) offsets(%arg12 : memref<128xi32, #tpu.memory_space<vmem>>) semaphore(%arg16 : memref<!tpu.dma_semaphore, #tpu.memory_space<semaphore_mem>>) {add = true}
    %scan3A_54 = arith.constant 0 : i32
    %scan3A_55 = arith.constant 0 : i32
    %scan3A_56 = arith.constant 38 : i32
    %scan3A_57 = arith.addi %scan3A_55, %scan3A_56 : i32
    %scan3A_58 = arith.constant 1 : i32
    scf.for %scan3A_98 = %scan3A_55 to %scan3A_57 step %scan3A_58  : i32 {
      %mul3A_99 = arith.constant 2 : i32
      %mul3A_100 = arith.muli %mul3A_99, %scan3A_98 : i32
      %add3A_101 = arith.constant 1 : i32
      %add3A_102 = arith.addi %add3A_101, %mul3A_100 : i32
      %add3A_103 = arith.constant 0 : i32
      %add3A_104 = arith.addi %add3A_102, %add3A_103 : i32
      %dma_wait3A_105 = tpu.memref_slice %arg3[%mul3A_2] : memref<320000xi32, #tpu.memory_space<hbm>> -> memref<128xi32, #tpu.memory_space<hbm>>
      %dma_wait3A_106 = tpu.memref_slice %arg3[%mul3A_2] : memref<320000xi32, #tpu.memory_space<hbm>> -> memref<128xi32, #tpu.memory_space<hbm>>
      tpu.wait_dma2 semaphore(%arg15 : memref<!tpu.dma_semaphore, #tpu.memory_space<semaphore_mem>>) src(%dma_wait3A_106 : memref<128xi32, #tpu.memory_space<hbm>>) dst(%arg11 : memref<128xi32, #tpu.memory_space<vmem>>)
      %dma_wait3A_107 = tpu.memref_slice %arg4[%mul3A_2] : memref<320000xi32, #tpu.memory_space<hbm>> -> memref<128xi32, #tpu.memory_space<hbm>>
      %dma_wait3A_108 = tpu.memref_slice %arg4[%mul3A_2] : memref<320000xi32, #tpu.memory_space<hbm>> -> memref<128xi32, #tpu.memory_space<hbm>>
      tpu.wait_dma2 semaphore(%arg15 : memref<!tpu.dma_semaphore, #tpu.memory_space<semaphore_mem>>) src(%dma_wait3A_108 : memref<128xi32, #tpu.memory_space<hbm>>) dst(%arg13 : memref<128xi32, #tpu.memory_space<vmem>>)
      %dma_wait3A_109 = arith.constant 0 : i32
      %dma_wait3A_110 = tpu.memref_slice %arg2[%mul3A_2, %dma_wait3A_109] : memref<320000x128xf32, #tpu.memory_space<hbm>> -> memref<128x128xf32, #tpu.memory_space<hbm>>
      %dma_wait3A_111 = arith.constant 0 : i32
      %dma_wait3A_112 = tpu.memref_slice %arg2[%mul3A_2, %dma_wait3A_111] : memref<320000x128xf32, #tpu.memory_space<hbm>> -> memref<128x128xf32, #tpu.memory_space<hbm>>
      tpu.wait_dma2 semaphore(%arg15 : memref<!tpu.dma_semaphore, #tpu.memory_space<semaphore_mem>>) src(%dma_wait3A_112 : memref<128x128xf32, #tpu.memory_space<hbm>>) dst(%arg9 : memref<128x128xf32, #tpu.memory_space<vmem>>)
      %dma_start3A_113 = arith.constant 0 : i32
      %dma_start3A_114 = arith.constant 0 : i32
      %dma_start3A_115 = tpu.memref_slice %arg7[%dma_start3A_113, %dma_start3A_114] : memref<10240x128xf32, #tpu.memory_space<vmem_shared>> -> memref<10240x128xf32, #tpu.memory_space<vmem_shared>>
      tpu.enqueue_indirect_dma source(%arg9 : memref<128x128xf32, #tpu.memory_space<vmem>>) target(%dma_start3A_115 : memref<10240x128xf32, #tpu.memory_space<vmem_shared>>) offsets(%arg11 : memref<128xi32, #tpu.memory_space<vmem>>) semaphore(%arg17 : memref<!tpu.dma_semaphore, #tpu.memory_space<semaphore_mem>>) {add = true}
      %dma_start3A_116 = arith.constant 0 : i32
      %dma_start3A_117 = arith.constant 0 : i32
      %dma_start3A_118 = tpu.memref_slice %arg7[%dma_start3A_116, %dma_start3A_117] : memref<10240x128xf32, #tpu.memory_space<vmem_shared>> -> memref<10240x128xf32, #tpu.memory_space<vmem_shared>>
      tpu.enqueue_indirect_dma source(%arg9 : memref<128x128xf32, #tpu.memory_space<vmem>>) target(%dma_start3A_118 : memref<10240x128xf32, #tpu.memory_space<vmem_shared>>) offsets(%arg13 : memref<128xi32, #tpu.memory_space<vmem>>) semaphore(%arg17 : memref<!tpu.dma_semaphore, #tpu.memory_space<semaphore_mem>>) {add = true}
      %dma_wait3A_119 = arith.constant 0 : i32
      %dma_wait3A_120 = arith.constant 0 : i32
      %dma_wait3A_121 = tpu.memref_slice %arg7[%dma_wait3A_119, %dma_wait3A_120] : memref<10240x128xf32, #tpu.memory_space<vmem_shared>> -> memref<10240x128xf32, #tpu.memory_space<vmem_shared>>
      tpu.wait_indirect_dma semaphore(%arg16 : memref<!tpu.dma_semaphore, #tpu.memory_space<semaphore_mem>>) src(%arg8 : memref<128x128xf32, #tpu.memory_space<vmem>>) dst(%dma_wait3A_121 : memref<10240x128xf32, #tpu.memory_space<vmem_shared>>)
      %dma_wait3A_122 = arith.constant 0 : i32
      %dma_wait3A_123 = arith.constant 0 : i32
      %dma_wait3A_124 = tpu.memref_slice %arg7[%dma_wait3A_122, %dma_wait3A_123] : memref<10240x128xf32, #tpu.memory_space<vmem_shared>> -> memref<10240x128xf32, #tpu.memory_space<vmem_shared>>
      tpu.wait_indirect_dma semaphore(%arg16 : memref<!tpu.dma_semaphore, #tpu.memory_space<semaphore_mem>>) src(%arg8 : memref<128x128xf32, #tpu.memory_space<vmem>>) dst(%dma_wait3A_124 : memref<10240x128xf32, #tpu.memory_space<vmem_shared>>)
      %add3A_125 = arith.constant 1 : i32
      %add3A_126 = arith.addi %add3A_104, %add3A_125 : i32
      %mul3A_127 = arith.constant 128 : i32
      %mul3A_128 = arith.muli %add3A_126, %mul3A_127 : i32
      %add3A_129 = arith.addi %mul3A_2, %mul3A_128 : i32
      %dma_start3A_130 = tpu.memref_slice %arg3[%add3A_129] : memref<320000xi32, #tpu.memory_space<hbm>> -> memref<128xi32, #tpu.memory_space<hbm>>
      %dma_start3A_131 = tpu.memref_slice %arg3[%add3A_129] : memref<320000xi32, #tpu.memory_space<hbm>> -> memref<128xi32, #tpu.memory_space<hbm>>
      tpu.enqueue_dma source(%dma_start3A_131 : memref<128xi32, #tpu.memory_space<hbm>>) target(%arg10 : memref<128xi32, #tpu.memory_space<vmem>>) target_semaphore(%arg14 : memref<!tpu.dma_semaphore, #tpu.memory_space<semaphore_mem>>)
      %dma_start3A_132 = tpu.memref_slice %arg4[%add3A_129] : memref<320000xi32, #tpu.memory_space<hbm>> -> memref<128xi32, #tpu.memory_space<hbm>>
      %dma_start3A_133 = tpu.memref_slice %arg4[%add3A_129] : memref<320000xi32, #tpu.memory_space<hbm>> -> memref<128xi32, #tpu.memory_space<hbm>>
      tpu.enqueue_dma source(%dma_start3A_133 : memref<128xi32, #tpu.memory_space<hbm>>) target(%arg12 : memref<128xi32, #tpu.memory_space<vmem>>) target_semaphore(%arg14 : memref<!tpu.dma_semaphore, #tpu.memory_space<semaphore_mem>>)
      %dma_start3A_134 = arith.constant 0 : i32
      %dma_start3A_135 = tpu.memref_slice %arg2[%add3A_129, %dma_start3A_134] : memref<320000x128xf32, #tpu.memory_space<hbm>> -> memref<128x128xf32, #tpu.memory_space<hbm>>
      %dma_start3A_136 = arith.constant 0 : i32
      %dma_start3A_137 = tpu.memref_slice %arg2[%add3A_129, %dma_start3A_136] : memref<320000x128xf32, #tpu.memory_space<hbm>> -> memref<128x128xf32, #tpu.memory_space<hbm>>
      tpu.enqueue_dma source(%dma_start3A_137 : memref<128x128xf32, #tpu.memory_space<hbm>>) target(%arg8 : memref<128x128xf32, #tpu.memory_space<vmem>>) target_semaphore(%arg14 : memref<!tpu.dma_semaphore, #tpu.memory_space<semaphore_mem>>)
      %mul3A_138 = arith.constant 2 : i32
      %mul3A_139 = arith.muli %mul3A_138, %scan3A_98 : i32
      %add3A_140 = arith.constant 1 : i32
      %add3A_141 = arith.addi %add3A_140, %mul3A_139 : i32
      %add3A_142 = arith.constant 1 : i32
      %add3A_143 = arith.addi %add3A_141, %add3A_142 : i32
      %dma_wait3A_144 = tpu.memref_slice %arg3[%mul3A_2] : memref<320000xi32, #tpu.memory_space<hbm>> -> memref<128xi32, #tpu.memory_space<hbm>>
      %dma_wait3A_145 = tpu.memref_slice %arg3[%mul3A_2] : memref<320000xi32, #tpu.memory_space<hbm>> -> memref<128xi32, #tpu.memory_space<hbm>>
      tpu.wait_dma2 semaphore(%arg14 : memref<!tpu.dma_semaphore, #tpu.memory_space<semaphore_mem>>) src(%dma_wait3A_145 : memref<128xi32, #tpu.memory_space<hbm>>) dst(%arg10 : memref<128xi32, #tpu.memory_space<vmem>>)
      %dma_wait3A_146 = tpu.memref_slice %arg4[%mul3A_2] : memref<320000xi32, #tpu.memory_space<hbm>> -> memref<128xi32, #tpu.memory_space<hbm>>
      %dma_wait3A_147 = tpu.memref_slice %arg4[%mul3A_2] : memref<320000xi32, #tpu.memory_space<hbm>> -> memref<128xi32, #tpu.memory_space<hbm>>
      tpu.wait_dma2 semaphore(%arg14 : memref<!tpu.dma_semaphore, #tpu.memory_space<semaphore_mem>>) src(%dma_wait3A_147 : memref<128xi32, #tpu.memory_space<hbm>>) dst(%arg12 : memref<128xi32, #tpu.memory_space<vmem>>)
      %dma_wait3A_148 = arith.constant 0 : i32
      %dma_wait3A_149 = tpu.memref_slice %arg2[%mul3A_2, %dma_wait3A_148] : memref<320000x128xf32, #tpu.memory_space<hbm>> -> memref<128x128xf32, #tpu.memory_space<hbm>>
      %dma_wait3A_150 = arith.constant 0 : i32
      %dma_wait3A_151 = tpu.memref_slice %arg2[%mul3A_2, %dma_wait3A_150] : memref<320000x128xf32, #tpu.memory_space<hbm>> -> memref<128x128xf32, #tpu.memory_space<hbm>>
      tpu.wait_dma2 semaphore(%arg14 : memref<!tpu.dma_semaphore, #tpu.memory_space<semaphore_mem>>) src(%dma_wait3A_151 : memref<128x128xf32, #tpu.memory_space<hbm>>) dst(%arg8 : memref<128x128xf32, #tpu.memory_space<vmem>>)
      %dma_start3A_152 = arith.constant 0 : i32
      %dma_start3A_153 = arith.constant 0 : i32
      %dma_start3A_154 = tpu.memref_slice %arg7[%dma_start3A_152, %dma_start3A_153] : memref<10240x128xf32, #tpu.memory_space<vmem_shared>> -> memref<10240x128xf32, #tpu.memory_space<vmem_shared>>
      tpu.enqueue_indirect_dma source(%arg8 : memref<128x128xf32, #tpu.memory_space<vmem>>) target(%dma_start3A_154 : memref<10240x128xf32, #tpu.memory_space<vmem_shared>>) offsets(%arg10 : memref<128xi32, #tpu.memory_space<vmem>>) semaphore(%arg16 : memref<!tpu.dma_semaphore, #tpu.memory_space<semaphore_mem>>) {add = true}
      %dma_start3A_155 = arith.constant 0 : i32
      %dma_start3A_156 = arith.constant 0 : i32
      %dma_start3A_157 = tpu.memref_slice %arg7[%dma_start3A_155, %dma_start3A_156] : memref<10240x128xf32, #tpu.memory_space<vmem_shared>> -> memref<10240x128xf32, #tpu.memory_space<vmem_shared>>
      tpu.enqueue_indirect_dma source(%arg8 : memref<128x128xf32, #tpu.memory_space<vmem>>) target(%dma_start3A_157 : memref<10240x128xf32, #tpu.memory_space<vmem_shared>>) offsets(%arg12 : memref<128xi32, #tpu.memory_space<vmem>>) semaphore(%arg16 : memref<!tpu.dma_semaphore, #tpu.memory_space<semaphore_mem>>) {add = true}
      %dma_wait3A_158 = arith.constant 0 : i32
      %dma_wait3A_159 = arith.constant 0 : i32
      %dma_wait3A_160 = tpu.memref_slice %arg7[%dma_wait3A_158, %dma_wait3A_159] : memref<10240x128xf32, #tpu.memory_space<vmem_shared>> -> memref<10240x128xf32, #tpu.memory_space<vmem_shared>>
      tpu.wait_indirect_dma semaphore(%arg17 : memref<!tpu.dma_semaphore, #tpu.memory_space<semaphore_mem>>) src(%arg9 : memref<128x128xf32, #tpu.memory_space<vmem>>) dst(%dma_wait3A_160 : memref<10240x128xf32, #tpu.memory_space<vmem_shared>>)
      %dma_wait3A_161 = arith.constant 0 : i32
      %dma_wait3A_162 = arith.constant 0 : i32
      %dma_wait3A_163 = tpu.memref_slice %arg7[%dma_wait3A_161, %dma_wait3A_162] : memref<10240x128xf32, #tpu.memory_space<vmem_shared>> -> memref<10240x128xf32, #tpu.memory_space<vmem_shared>>
      tpu.wait_indirect_dma semaphore(%arg17 : memref<!tpu.dma_semaphore, #tpu.memory_space<semaphore_mem>>) src(%arg9 : memref<128x128xf32, #tpu.memory_space<vmem>>) dst(%dma_wait3A_163 : memref<10240x128xf32, #tpu.memory_space<vmem_shared>>)
      %add3A_164 = arith.constant 1 : i32
      %add3A_165 = arith.addi %add3A_143, %add3A_164 : i32
      %mul3A_166 = arith.constant 128 : i32
      %mul3A_167 = arith.muli %add3A_165, %mul3A_166 : i32
      %add3A_168 = arith.addi %mul3A_2, %mul3A_167 : i32
      %dma_start3A_169 = tpu.memref_slice %arg3[%add3A_168] : memref<320000xi32, #tpu.memory_space<hbm>> -> memref<128xi32, #tpu.memory_space<hbm>>
      %dma_start3A_170 = tpu.memref_slice %arg3[%add3A_168] : memref<320000xi32, #tpu.memory_space<hbm>> -> memref<128xi32, #tpu.memory_space<hbm>>
      tpu.enqueue_dma source(%dma_start3A_170 : memref<128xi32, #tpu.memory_space<hbm>>) target(%arg11 : memref<128xi32, #tpu.memory_space<vmem>>) target_semaphore(%arg15 : memref<!tpu.dma_semaphore, #tpu.memory_space<semaphore_mem>>)
      %dma_start3A_171 = tpu.memref_slice %arg4[%add3A_168] : memref<320000xi32, #tpu.memory_space<hbm>> -> memref<128xi32, #tpu.memory_space<hbm>>
      %dma_start3A_172 = tpu.memref_slice %arg4[%add3A_168] : memref<320000xi32, #tpu.memory_space<hbm>> -> memref<128xi32, #tpu.memory_space<hbm>>
      tpu.enqueue_dma source(%dma_start3A_172 : memref<128xi32, #tpu.memory_space<hbm>>) target(%arg13 : memref<128xi32, #tpu.memory_space<vmem>>) target_semaphore(%arg15 : memref<!tpu.dma_semaphore, #tpu.memory_space<semaphore_mem>>)
      %dma_start3A_173 = arith.constant 0 : i32
      %dma_start3A_174 = tpu.memref_slice %arg2[%add3A_168, %dma_start3A_173] : memref<320000x128xf32, #tpu.memory_space<hbm>> -> memref<128x128xf32, #tpu.memory_space<hbm>>
      %dma_start3A_175 = arith.constant 0 : i32
      %dma_start3A_176 = tpu.memref_slice %arg2[%add3A_168, %dma_start3A_175] : memref<320000x128xf32, #tpu.memory_space<hbm>> -> memref<128x128xf32, #tpu.memory_space<hbm>>
      tpu.enqueue_dma source(%dma_start3A_176 : memref<128x128xf32, #tpu.memory_space<hbm>>) target(%arg9 : memref<128x128xf32, #tpu.memory_space<vmem>>) target_semaphore(%arg15 : memref<!tpu.dma_semaphore, #tpu.memory_space<semaphore_mem>>)
    }
    %scan3A_59 = arith.constant 38 : i32
    %dma_wait3A_60 = tpu.memref_slice %arg3[%mul3A_2] : memref<320000xi32, #tpu.memory_space<hbm>> -> memref<128xi32, #tpu.memory_space<hbm>>
    %dma_wait3A_61 = tpu.memref_slice %arg3[%mul3A_2] : memref<320000xi32, #tpu.memory_space<hbm>> -> memref<128xi32, #tpu.memory_space<hbm>>
    tpu.wait_dma2 semaphore(%arg15 : memref<!tpu.dma_semaphore, #tpu.memory_space<semaphore_mem>>) src(%dma_wait3A_61 : memref<128xi32, #tpu.memory_space<hbm>>) dst(%arg11 : memref<128xi32, #tpu.memory_space<vmem>>)
    %dma_wait3A_62 = tpu.memref_slice %arg4[%mul3A_2] : memref<320000xi32, #tpu.memory_space<hbm>> -> memref<128xi32, #tpu.memory_space<hbm>>
    %dma_wait3A_63 = tpu.memref_slice %arg4[%mul3A_2] : memref<320000xi32, #tpu.memory_space<hbm>> -> memref<128xi32, #tpu.memory_space<hbm>>
    tpu.wait_dma2 semaphore(%arg15 : memref<!tpu.dma_semaphore, #tpu.memory_space<semaphore_mem>>) src(%dma_wait3A_63 : memref<128xi32, #tpu.memory_space<hbm>>) dst(%arg13 : memref<128xi32, #tpu.memory_space<vmem>>)
    %dma_wait3A_64 = arith.constant 0 : i32
    %dma_wait3A_65 = tpu.memref_slice %arg2[%mul3A_2, %dma_wait3A_64] : memref<320000x128xf32, #tpu.memory_space<hbm>> -> memref<128x128xf32, #tpu.memory_space<hbm>>
    %dma_wait3A_66 = arith.constant 0 : i32
    %dma_wait3A_67 = tpu.memref_slice %arg2[%mul3A_2, %dma_wait3A_66] : memref<320000x128xf32, #tpu.memory_space<hbm>> -> memref<128x128xf32, #tpu.memory_space<hbm>>
    tpu.wait_dma2 semaphore(%arg15 : memref<!tpu.dma_semaphore, #tpu.memory_space<semaphore_mem>>) src(%dma_wait3A_67 : memref<128x128xf32, #tpu.memory_space<hbm>>) dst(%arg9 : memref<128x128xf32, #tpu.memory_space<vmem>>)
    %dma_start3A_68 = arith.constant 0 : i32
    %dma_start3A_69 = arith.constant 0 : i32
    %dma_start3A_70 = tpu.memref_slice %arg7[%dma_start3A_68, %dma_start3A_69] : memref<10240x128xf32, #tpu.memory_space<vmem_shared>> -> memref<10240x128xf32, #tpu.memory_space<vmem_shared>>
    tpu.enqueue_indirect_dma source(%arg9 : memref<128x128xf32, #tpu.memory_space<vmem>>) target(%dma_start3A_70 : memref<10240x128xf32, #tpu.memory_space<vmem_shared>>) offsets(%arg11 : memref<128xi32, #tpu.memory_space<vmem>>) semaphore(%arg17 : memref<!tpu.dma_semaphore, #tpu.memory_space<semaphore_mem>>) {add = true}
    %dma_start3A_71 = arith.constant 0 : i32
    %dma_start3A_72 = arith.constant 0 : i32
    %dma_start3A_73 = tpu.memref_slice %arg7[%dma_start3A_71, %dma_start3A_72] : memref<10240x128xf32, #tpu.memory_space<vmem_shared>> -> memref<10240x128xf32, #tpu.memory_space<vmem_shared>>
    tpu.enqueue_indirect_dma source(%arg9 : memref<128x128xf32, #tpu.memory_space<vmem>>) target(%dma_start3A_73 : memref<10240x128xf32, #tpu.memory_space<vmem_shared>>) offsets(%arg13 : memref<128xi32, #tpu.memory_space<vmem>>) semaphore(%arg17 : memref<!tpu.dma_semaphore, #tpu.memory_space<semaphore_mem>>) {add = true}
    %dma_wait3A_74 = arith.constant 0 : i32
    %dma_wait3A_75 = arith.constant 0 : i32
    %dma_wait3A_76 = tpu.memref_slice %arg7[%dma_wait3A_74, %dma_wait3A_75] : memref<10240x128xf32, #tpu.memory_space<vmem_shared>> -> memref<10240x128xf32, #tpu.memory_space<vmem_shared>>
    tpu.wait_indirect_dma semaphore(%arg16 : memref<!tpu.dma_semaphore, #tpu.memory_space<semaphore_mem>>) src(%arg8 : memref<128x128xf32, #tpu.memory_space<vmem>>) dst(%dma_wait3A_76 : memref<10240x128xf32, #tpu.memory_space<vmem_shared>>)
    %dma_wait3A_77 = arith.constant 0 : i32
    %dma_wait3A_78 = arith.constant 0 : i32
    %dma_wait3A_79 = tpu.memref_slice %arg7[%dma_wait3A_77, %dma_wait3A_78] : memref<10240x128xf32, #tpu.memory_space<vmem_shared>> -> memref<10240x128xf32, #tpu.memory_space<vmem_shared>>
    tpu.wait_indirect_dma semaphore(%arg16 : memref<!tpu.dma_semaphore, #tpu.memory_space<semaphore_mem>>) src(%arg8 : memref<128x128xf32, #tpu.memory_space<vmem>>) dst(%dma_wait3A_79 : memref<10240x128xf32, #tpu.memory_space<vmem_shared>>)
    %add3A_80 = arith.constant 9984 : i32
    %add3A_81 = arith.addi %mul3A_2, %add3A_80 : i32
    "tpu.region"() ({
      %run_scoped3A = tpu.sem_alloc : memref<!tpu.dma_semaphore, #tpu.memory_space<semaphore_mem>>
      %dma_start3A_98 = tpu.memref_slice %arg3[%add3A_81] : memref<320000xi32, #tpu.memory_space<hbm>> -> memref<16xi32, #tpu.memory_space<hbm>>
      %dma_start3A_99 = tpu.memref_slice %arg3[%add3A_81] : memref<320000xi32, #tpu.memory_space<hbm>> -> memref<16xi32, #tpu.memory_space<hbm>>
      tpu.enqueue_dma source(%dma_start3A_99 : memref<16xi32, #tpu.memory_space<hbm>>) target(%arg19 : memref<16xi32, #tpu.memory_space<vmem>>) target_semaphore(%run_scoped3A : memref<!tpu.dma_semaphore, #tpu.memory_space<semaphore_mem>>)
      %dma_wait3A_100 = tpu.memref_slice %arg3[%add3A_81] : memref<320000xi32, #tpu.memory_space<hbm>> -> memref<16xi32, #tpu.memory_space<hbm>>
      %dma_wait3A_101 = tpu.memref_slice %arg3[%add3A_81] : memref<320000xi32, #tpu.memory_space<hbm>> -> memref<16xi32, #tpu.memory_space<hbm>>
      tpu.wait_dma2 semaphore(%run_scoped3A : memref<!tpu.dma_semaphore, #tpu.memory_space<semaphore_mem>>) src(%dma_wait3A_101 : memref<16xi32, #tpu.memory_space<hbm>>) dst(%arg19 : memref<16xi32, #tpu.memory_space<vmem>>)
      tpu.yield
    }) : () -> ()
    "tpu.region"() ({
      %run_scoped3A = tpu.sem_alloc : memref<!tpu.dma_semaphore, #tpu.memory_space<semaphore_mem>>
      %dma_start3A_98 = tpu.memref_slice %arg4[%add3A_81] : memref<320000xi32, #tpu.memory_space<hbm>> -> memref<16xi32, #tpu.memory_space<hbm>>
      %dma_start3A_99 = tpu.memref_slice %arg4[%add3A_81] : memref<320000xi32, #tpu.memory_space<hbm>> -> memref<16xi32, #tpu.memory_space<hbm>>
      tpu.enqueue_dma source(%dma_start3A_99 : memref<16xi32, #tpu.memory_space<hbm>>) target(%arg20 : memref<16xi32, #tpu.memory_space<vmem>>) target_semaphore(%run_scoped3A : memref<!tpu.dma_semaphore, #tpu.memory_space<semaphore_mem>>)
      %dma_wait3A_100 = tpu.memref_slice %arg4[%add3A_81] : memref<320000xi32, #tpu.memory_space<hbm>> -> memref<16xi32, #tpu.memory_space<hbm>>
      %dma_wait3A_101 = tpu.memref_slice %arg4[%add3A_81] : memref<320000xi32, #tpu.memory_space<hbm>> -> memref<16xi32, #tpu.memory_space<hbm>>
      tpu.wait_dma2 semaphore(%run_scoped3A : memref<!tpu.dma_semaphore, #tpu.memory_space<semaphore_mem>>) src(%dma_wait3A_101 : memref<16xi32, #tpu.memory_space<hbm>>) dst(%arg20 : memref<16xi32, #tpu.memory_space<vmem>>)
      tpu.yield
    }) : () -> ()
    "tpu.region"() ({
      %run_scoped3A = tpu.sem_alloc : memref<!tpu.dma_semaphore, #tpu.memory_space<semaphore_mem>>
      %dma_start3A_98 = arith.constant 0 : i32
      %dma_start3A_99 = tpu.memref_slice %arg2[%add3A_81, %dma_start3A_98] : memref<320000x128xf32, #tpu.memory_space<hbm>> -> memref<16x128xf32, #tpu.memory_space<hbm>>
      %dma_start3A_100 = arith.constant 0 : i32
      %dma_start3A_101 = tpu.memref_slice %arg2[%add3A_81, %dma_start3A_100] : memref<320000x128xf32, #tpu.memory_space<hbm>> -> memref<16x128xf32, #tpu.memory_space<hbm>>
      tpu.enqueue_dma source(%dma_start3A_101 : memref<16x128xf32, #tpu.memory_space<hbm>>) target(%arg18 : memref<16x128xf32, #tpu.memory_space<vmem>>) target_semaphore(%run_scoped3A : memref<!tpu.dma_semaphore, #tpu.memory_space<semaphore_mem>>)
      %dma_wait3A_102 = arith.constant 0 : i32
      %dma_wait3A_103 = tpu.memref_slice %arg2[%add3A_81, %dma_wait3A_102] : memref<320000x128xf32, #tpu.memory_space<hbm>> -> memref<16x128xf32, #tpu.memory_space<hbm>>
      %dma_wait3A_104 = arith.constant 0 : i32
      %dma_wait3A_105 = tpu.memref_slice %arg2[%add3A_81, %dma_wait3A_104] : memref<320000x128xf32, #tpu.memory_space<hbm>> -> memref<16x128xf32, #tpu.memory_space<hbm>>
      tpu.wait_dma2 semaphore(%run_scoped3A : memref<!tpu.dma_semaphore, #tpu.memory_space<semaphore_mem>>) src(%dma_wait3A_105 : memref<16x128xf32, #tpu.memory_space<hbm>>) dst(%arg18 : memref<16x128xf32, #tpu.memory_space<vmem>>)
      tpu.yield
    }) : () -> ()
    %dma_wait3A_82 = arith.constant 0 : i32
    %dma_wait3A_83 = arith.constant 0 : i32
    %dma_wait3A_84 = tpu.memref_slice %arg7[%dma_wait3A_82, %dma_wait3A_83] : memref<10240x128xf32, #tpu.memory_space<vmem_shared>> -> memref<10240x128xf32, #tpu.memory_space<vmem_shared>>
    tpu.wait_indirect_dma semaphore(%arg17 : memref<!tpu.dma_semaphore, #tpu.memory_space<semaphore_mem>>) src(%arg9 : memref<128x128xf32, #tpu.memory_space<vmem>>) dst(%dma_wait3A_84 : memref<10240x128xf32, #tpu.memory_space<vmem_shared>>)
    %dma_wait3A_85 = arith.constant 0 : i32
    %dma_wait3A_86 = arith.constant 0 : i32
    %dma_wait3A_87 = tpu.memref_slice %arg7[%dma_wait3A_85, %dma_wait3A_86] : memref<10240x128xf32, #tpu.memory_space<vmem_shared>> -> memref<10240x128xf32, #tpu.memory_space<vmem_shared>>
    tpu.wait_indirect_dma semaphore(%arg17 : memref<!tpu.dma_semaphore, #tpu.memory_space<semaphore_mem>>) src(%arg9 : memref<128x128xf32, #tpu.memory_space<vmem>>) dst(%dma_wait3A_87 : memref<10240x128xf32, #tpu.memory_space<vmem_shared>>)
    "tpu.region"() ({
      %run_scoped3A = tpu.sem_alloc : memref<!tpu.dma_semaphore, #tpu.memory_space<semaphore_mem>>
      %dma_start3A_98 = arith.constant 0 : i32
      %dma_start3A_99 = arith.constant 0 : i32
      %dma_start3A_100 = tpu.memref_slice %arg7[%dma_start3A_98, %dma_start3A_99] : memref<10240x128xf32, #tpu.memory_space<vmem_shared>> -> memref<10240x128xf32, #tpu.memory_space<vmem_shared>>
      tpu.enqueue_indirect_dma source(%arg18 : memref<16x128xf32, #tpu.memory_space<vmem>>) target(%dma_start3A_100 : memref<10240x128xf32, #tpu.memory_space<vmem_shared>>) offsets(%arg19 : memref<16xi32, #tpu.memory_space<vmem>>) semaphore(%run_scoped3A : memref<!tpu.dma_semaphore, #tpu.memory_space<semaphore_mem>>) {add = true}
      %dma_wait3A_101 = arith.constant 0 : i32
      %dma_wait3A_102 = arith.constant 0 : i32
      %dma_wait3A_103 = tpu.memref_slice %arg7[%dma_wait3A_101, %dma_wait3A_102] : memref<10240x128xf32, #tpu.memory_space<vmem_shared>> -> memref<10240x128xf32, #tpu.memory_space<vmem_shared>>
      tpu.wait_indirect_dma semaphore(%run_scoped3A : memref<!tpu.dma_semaphore, #tpu.memory_space<semaphore_mem>>) src(%arg18 : memref<16x128xf32, #tpu.memory_space<vmem>>) dst(%dma_wait3A_103 : memref<10240x128xf32, #tpu.memory_space<vmem_shared>>)
      tpu.yield
    }) : () -> ()
    "tpu.region"() ({
      %run_scoped3A = tpu.sem_alloc : memref<!tpu.dma_semaphore, #tpu.memory_space<semaphore_mem>>
      %dma_start3A_98 = arith.constant 0 : i32
      %dma_start3A_99 = arith.constant 0 : i32
      %dma_start3A_100 = tpu.memref_slice %arg7[%dma_start3A_98, %dma_start3A_99] : memref<10240x128xf32, #tpu.memory_space<vmem_shared>> -> memref<10240x128xf32, #tpu.memory_space<vmem_shared>>
      tpu.enqueue_indirect_dma source(%arg18 : memref<16x128xf32, #tpu.memory_space<vmem>>) target(%dma_start3A_100 : memref<10240x128xf32, #tpu.memory_space<vmem_shared>>) offsets(%arg20 : memref<16xi32, #tpu.memory_space<vmem>>) semaphore(%run_scoped3A : memref<!tpu.dma_semaphore, #tpu.memory_space<semaphore_mem>>) {add = true}
      %dma_wait3A_101 = arith.constant 0 : i32
      %dma_wait3A_102 = arith.constant 0 : i32
      %dma_wait3A_103 = tpu.memref_slice %arg7[%dma_wait3A_101, %dma_wait3A_102] : memref<10240x128xf32, #tpu.memory_space<vmem_shared>> -> memref<10240x128xf32, #tpu.memory_space<vmem_shared>>
      tpu.wait_indirect_dma semaphore(%run_scoped3A : memref<!tpu.dma_semaphore, #tpu.memory_space<semaphore_mem>>) src(%arg18 : memref<16x128xf32, #tpu.memory_space<vmem>>) dst(%dma_wait3A_103 : memref<10240x128xf32, #tpu.memory_space<vmem_shared>>)
      tpu.yield
    }) : () -> ()
    %barrier3A_88 = arith.constant 0 : index
    tpu.barrier barrier_id(%barrier3A_88)
    %mul3A_89 = arith.constant 640 : i32
    %mul3A_90 = arith.muli %arg1, %mul3A_89 : i32
    %eq3A = arith.constant 0 : i32
    %eq3A_91 = arith.cmpi eq, %arg0, %eq3A : i32
    %convert_element_type3A = arith.extui %eq3A_91 : i1 to i32
    %cond3A = arith.constant 0 : i32
    %cond3A_92 = arith.cmpi ne, %convert_element_type3A, %cond3A : i32
    scf.if %cond3A_92 {
      "tpu.region"() ({
        %run_scoped3A = tpu.sem_alloc : memref<!tpu.dma_semaphore, #tpu.memory_space<semaphore_mem>>
        %dma_start3A_98 = arith.constant 0 : i32
        %dma_start3A_99 = tpu.memref_slice %arg5[%mul3A_90, %dma_start3A_98] : memref<10240x128xf32, #tpu.memory_space<hbm>> -> memref<640x128xf32, #tpu.memory_space<hbm>>
        %dma_start3A_100 = arith.constant 0 : i32
        %dma_start3A_101 = tpu.memref_slice %arg7[%mul3A_90, %dma_start3A_100] : memref<10240x128xf32, #tpu.memory_space<vmem_shared>> -> memref<640x128xf32, #tpu.memory_space<vmem_shared>>
        tpu.enqueue_dma source(%dma_start3A_101 : memref<640x128xf32, #tpu.memory_space<vmem_shared>>) target(%dma_start3A_99 : memref<640x128xf32, #tpu.memory_space<hbm>>) target_semaphore(%run_scoped3A : memref<!tpu.dma_semaphore, #tpu.memory_space<semaphore_mem>>)
        %dma_wait3A_102 = arith.constant 0 : i32
        %dma_wait3A_103 = tpu.memref_slice %arg5[%mul3A_90, %dma_wait3A_102] : memref<10240x128xf32, #tpu.memory_space<hbm>> -> memref<640x128xf32, #tpu.memory_space<hbm>>
        %dma_wait3A_104 = arith.constant 0 : i32
        %dma_wait3A_105 = tpu.memref_slice %arg7[%mul3A_90, %dma_wait3A_104] : memref<10240x128xf32, #tpu.memory_space<vmem_shared>> -> memref<640x128xf32, #tpu.memory_space<vmem_shared>>
        tpu.wait_dma2 semaphore(%run_scoped3A : memref<!tpu.dma_semaphore, #tpu.memory_space<semaphore_mem>>) src(%dma_wait3A_105 : memref<640x128xf32, #tpu.memory_space<vmem_shared>>) dst(%dma_wait3A_103 : memref<640x128xf32, #tpu.memory_space<hbm>>)
        tpu.yield
      }) : () -> ()
    } else {
    }
    %eq3A_93 = arith.constant 1 : i32
    %eq3A_94 = arith.cmpi eq, %arg0, %eq3A_93 : i32
    %convert_element_type3A_95 = arith.extui %eq3A_94 : i1 to i32
    %cond3A_96 = arith.constant 0 : i32
    %cond3A_97 = arith.cmpi ne, %convert_element_type3A_95, %cond3A_96 : i32
    scf.if %cond3A_97 {
      "tpu.region"() ({
        %run_scoped3A = tpu.sem_alloc : memref<!tpu.dma_semaphore, #tpu.memory_space<semaphore_mem>>
        %dma_start3A_98 = arith.constant 0 : i32
        %dma_start3A_99 = tpu.memref_slice %arg6[%mul3A_90, %dma_start3A_98] : memref<10240x128xf32, #tpu.memory_space<hbm>> -> memref<640x128xf32, #tpu.memory_space<hbm>>
        %dma_start3A_100 = arith.constant 0 : i32
        %dma_start3A_101 = tpu.memref_slice %arg7[%mul3A_90, %dma_start3A_100] : memref<10240x128xf32, #tpu.memory_space<vmem_shared>> -> memref<640x128xf32, #tpu.memory_space<vmem_shared>>
        tpu.enqueue_dma source(%dma_start3A_101 : memref<640x128xf32, #tpu.memory_space<vmem_shared>>) target(%dma_start3A_99 : memref<640x128xf32, #tpu.memory_space<hbm>>) target_semaphore(%run_scoped3A : memref<!tpu.dma_semaphore, #tpu.memory_space<semaphore_mem>>)
        %dma_wait3A_102 = arith.constant 0 : i32
        %dma_wait3A_103 = tpu.memref_slice %arg6[%mul3A_90, %dma_wait3A_102] : memref<10240x128xf32, #tpu.memory_space<hbm>> -> memref<640x128xf32, #tpu.memory_space<hbm>>
        %dma_wait3A_104 = arith.constant 0 : i32
        %dma_wait3A_105 = tpu.memref_slice %arg7[%mul3A_90, %dma_wait3A_104] : memref<10240x128xf32, #tpu.memory_space<vmem_shared>> -> memref<640x128xf32, #tpu.memory_space<vmem_shared>>
        tpu.wait_dma2 semaphore(%run_scoped3A : memref<!tpu.dma_semaphore, #tpu.memory_space<semaphore_mem>>) src(%dma_wait3A_105 : memref<640x128xf32, #tpu.memory_space<vmem_shared>>) dst(%dma_wait3A_103 : memref<640x128xf32, #tpu.memory_space<hbm>>)
        tpu.yield
      }) : () -> ()
    } else {
    }
    return
  }
}

module attributes {stable_mosaic.version = 14 : i64} {
  func.func @mm(%arg0: i32, %arg1: memref<2000x128xf32, #tpu.memory_space<vmem>>, %arg2: memref<128x128xf32, #tpu.memory_space<vmem>>, %arg3: memref<1x128xf32, #tpu.memory_space<vmem>>, %arg4: memref<2000x128xf32, #tpu.memory_space<vmem>>) attributes {dimension_semantics = [#tpu.dimension_semantics<arbitrary>], iteration_bounds = array<i64: 5>, scalar_prefetch = 0 : i64, scratch_operands = 0 : i64, tpu.core_type = #tpu.core_type<tc>, window_params = [{transform_indices = @transform_0, window_bounds = array<i64: 2000, 128>}, {pipeline_mode = #tpu.pipeline_mode<synchronous>, transform_indices = @transform_1, window_bounds = array<i64: 128, 128>}, {pipeline_mode = #tpu.pipeline_mode<synchronous>, transform_indices = @transform_2, window_bounds = array<i64: 1, 128>}, {transform_indices = @transform_3, window_bounds = array<i64: 2000, 128>}]} {
    %get3A = arith.constant 0 : index
    %get3A_0 = arith.constant 0 : index
    %get3A_1 = vector.load %arg1[%get3A, %get3A_0] : memref<2000x128xf32, #tpu.memory_space<vmem>>, vector<2000x128xf32>
    %get3A_2 = arith.constant 0 : index
    %get3A_3 = arith.constant 0 : index
    %get3A_4 = vector.load %arg2[%get3A_2, %get3A_3] : memref<128x128xf32, #tpu.memory_space<vmem>>, vector<128x128xf32>
    %dot_general3A = arith.constant dense<0.000000e+00> : vector<2000x128xf32>
    %dot_general3A_5 = tpu.matmul %get3A_1, %get3A_4, %dot_general3A {dimension_numbers = #tpu.dot_dimension_numbers<[1], [0], [0], [1], [0, 0, 1, 1], [], []>, transpose_lhs_hint = false} : vector<2000x128xf32>, vector<128x128xf32>, vector<2000x128xf32> -> vector<2000x128xf32>
    %get3A_6 = arith.constant 0 : index
    %get3A_7 = arith.constant 0 : index
    %get3A_8 = vector.load %arg3[%get3A_6, %get3A_7] : memref<1x128xf32, #tpu.memory_space<vmem>>, vector<1x128xf32>
    %add3A = vector.broadcast %get3A_8 : vector<1x128xf32> to vector<2000x128xf32>
    %add3A_9 = arith.addf %dot_general3A_5, %add3A : vector<2000x128xf32>
    %swap3A = arith.constant 0 : index
    %swap3A_10 = arith.constant 0 : index
    %swap3A_11 = vector.load %arg4[%swap3A, %swap3A_10] : memref<2000x128xf32, #tpu.memory_space<vmem>>, vector<2000x128xf32>
    tpu.vector_store %arg4[%swap3A, %swap3A_10], %add3A_9 {strides = array<i32>} : memref<2000x128xf32, #tpu.memory_space<vmem>>, vector<2000x128xf32>,
    return
  }
  func.func @transform_0(%arg0: i32) -> (i32, i32) {
    %c0_i32 = arith.constant 0 : i32
    %c0_i32_0 = arith.constant 0 : i32
    return %arg0, %c0_i32 : i32, i32
  }
  func.func @transform_1(%arg0: i32) -> (i32, i32) {
    %c0_i32 = arith.constant 0 : i32
    %c0_i32_0 = arith.constant 0 : i32
    %c0_i32_1 = arith.constant 0 : i32
    return %c0_i32, %c0_i32_0 : i32, i32
  }
  func.func @transform_2(%arg0: i32) -> (i32, i32) {
    %c0_i32 = arith.constant 0 : i32
    %c0_i32_0 = arith.constant 0 : i32
    %c0_i32_1 = arith.constant 0 : i32
    return %c0_i32, %c0_i32_0 : i32, i32
  }
  func.func @transform_3(%arg0: i32) -> (i32, i32) {
    %c0_i32 = arith.constant 0 : i32
    %c0_i32_0 = arith.constant 0 : i32
    return %arg0, %c0_i32 : i32, i32
  }
}

module attributes {stable_mosaic.version = 14 : i64} {
  func.func @mm(%arg0: i32, %arg1: memref<2000x128xf32, #tpu.memory_space<vmem>>, %arg2: memref<2000x128xf32, #tpu.memory_space<vmem>>, %arg3: memref<2000x128xf32, #tpu.memory_space<vmem>>, %arg4: memref<128x128xf32, #tpu.memory_space<vmem>>, %arg5: memref<2000x128xf32, #tpu.memory_space<vmem>>) attributes {dimension_semantics = [#tpu.dimension_semantics<arbitrary>], iteration_bounds = array<i64: 5>, scalar_prefetch = 0 : i64, scratch_operands = 0 : i64, tpu.core_type = #tpu.core_type<tc>, window_params = [{transform_indices = @transform_0, window_bounds = array<i64: 2000, 128>}, {transform_indices = @transform_1, window_bounds = array<i64: 2000, 128>}, {transform_indices = @transform_2, window_bounds = array<i64: 2000, 128>}, {pipeline_mode = #tpu.pipeline_mode<synchronous>, transform_indices = @transform_3, window_bounds = array<i64: 128, 128>}, {transform_indices = @transform_4, window_bounds = array<i64: 2000, 128>}]} {
    %get3A = arith.constant 0 : index
    %get3A_0 = arith.constant 0 : index
    %get3A_1 = vector.load %arg2[%get3A, %get3A_0] : memref<2000x128xf32, #tpu.memory_space<vmem>>, vector<2000x128xf32>
    %get3A_2 = arith.constant 0 : index
    %get3A_3 = arith.constant 0 : index
    %get3A_4 = vector.load %arg3[%get3A_2, %get3A_3] : memref<2000x128xf32, #tpu.memory_space<vmem>>, vector<2000x128xf32>
    %add3A = arith.addf %get3A_1, %get3A_4 : vector<2000x128xf32>
    %get3A_5 = arith.constant 0 : index
    %get3A_6 = arith.constant 0 : index
    %get3A_7 = vector.load %arg1[%get3A_5, %get3A_6] : memref<2000x128xf32, #tpu.memory_space<vmem>>, vector<2000x128xf32>
    %get3A_8 = arith.constant 0 : index
    %get3A_9 = arith.constant 0 : index
    %get3A_10 = vector.load %arg4[%get3A_8, %get3A_9] : memref<128x128xf32, #tpu.memory_space<vmem>>, vector<128x128xf32>
    %dot_general3A = arith.constant dense<0.000000e+00> : vector<2000x128xf32>
    %dot_general3A_11 = tpu.matmul %add3A, %get3A_10, %dot_general3A {dimension_numbers = #tpu.dot_dimension_numbers<[1], [0], [0], [1], [0, 0, 1, 1], [], []>, transpose_lhs_hint = false} : vector<2000x128xf32>, vector<128x128xf32>, vector<2000x128xf32> -> vector<2000x128xf32>
    %add3A_12 = arith.addf %get3A_7, %dot_general3A_11 : vector<2000x128xf32>
    %swap3A = arith.constant 0 : index
    %swap3A_13 = arith.constant 0 : index
    %swap3A_14 = vector.load %arg5[%swap3A, %swap3A_13] : memref<2000x128xf32, #tpu.memory_space<vmem>>, vector<2000x128xf32>
    tpu.vector_store %arg5[%swap3A, %swap3A_13], %add3A_12 {strides = array<i32>} : memref<2000x128xf32, #tpu.memory_space<vmem>>, vector<2000x128xf32>,
    return
  }
  func.func @transform_0(%arg0: i32) -> (i32, i32) {
    %c0_i32 = arith.constant 0 : i32
    %c0_i32_0 = arith.constant 0 : i32
    return %arg0, %c0_i32 : i32, i32
  }
  func.func @transform_1(%arg0: i32) -> (i32, i32) {
    %c0_i32 = arith.constant 0 : i32
    %c0_i32_0 = arith.constant 0 : i32
    return %arg0, %c0_i32 : i32, i32
  }
  func.func @transform_2(%arg0: i32) -> (i32, i32) {
    %c0_i32 = arith.constant 0 : i32
    %c0_i32_0 = arith.constant 0 : i32
    return %arg0, %c0_i32 : i32, i32
  }
  func.func @transform_3(%arg0: i32) -> (i32, i32) {
    %c0_i32 = arith.constant 0 : i32
    %c0_i32_0 = arith.constant 0 : i32
    %c0_i32_1 = arith.constant 0 : i32
    return %c0_i32, %c0_i32_0 : i32, i32
  }
  func.func @transform_4(%arg0: i32) -> (i32, i32) {
    %c0_i32 = arith.constant 0 : i32
    %c0_i32_0 = arith.constant 0 : i32
    return %arg0, %c0_i32 : i32, i32
  }
}

</mosaic_0001>

<sc_bundles>
// kernel: kernel.5.cloned.1.call-start
scs
__scs_entry_jumppad:
0x0: {  	(pc) =	sbr.rel $0x88, $3  }
0x1: {  	(tag) =	ssettag $0x0;
	lr =	simm.s32 $0x1  }
0x2: {  	[smem:$0x3F9C] =	sst lr;
	_ =	strace $0xD0000000  }
0x3: {  	_ = 	snop  }
0x4: {  	_ = 	snop  }
0x5: {  	_ = 	snop  }
0x6: {  	_ = 	snop  }
0x7: {  	_ = 	snop  }
__scs_overlays_trampoline_lowered:
0x8: {  	[smem:$0x3FAB] =	sst s0  }
0x9: {  	[smem:$0x3FAC] =	sst s1  }
0xa: {  	[smem:$0x3FAD] =	sst s2  }
0xb: {  	[smem:$0x3FAE] =	sst s3  }
0xc: {  	[smem:$0x3FAF] =	sst s4  }
0xd: {  	[smem:$0x3FB0] =	sst s5  }
0xe: {  	[smem:$0x3FB1] =	sst s6  }
0xf: {  	[smem:$0x3FB2] =	sst s7  }
0x10: {  	[smem:$0x3FB3] =	sst s8  }
0x11: {  	[smem:$0x3FB4] =	sst s9;
	s0 =	simm.s32 @!p0 $0x0  }
0x12: {  	s1 =	sld [smem:$0x3F9A];
	s0 =	simm.s32 @p0 $0x1  }
0x13: {  	[smem:$0x3FB5] =	sst s0;
	s0 =	simm.s32 @!p1 $0x0  }
0x14: {  	s2 =	sld [smem:$0x3F99];
	s0 =	simm.s32 @p1 $0x1  }
0x15: {  	[smem:$0x3FB6] =	sst s0;
	s0 =	simm.s32 @!p2 $0x0  }
0x16: {  	s3 =	sld [smem:$0x3FDB];
	s0 =	simm.s32 @p2 $0x1  }
0x17: {  	s4 =	simm.s32 $0x1BF5;
	[smem:$0x3FB8] =	sst s0  }
0x18: {  	s0 =	sld [smem:$0x3F9B];
	_ =	swait.ge [sflag:s4], $0x0  }
0x19: {  	s7 =	sld [smem:$0x3F9C]  }
0x1a: {  	s8 =	sadd.s32 $0xFFFFE003, lr  }
0x1b: {  	s9 =	sadd.s32 $0xFFFFFEF7, lr;
	s5 =	simm.s32 $0xFFFFFFFF;
	p2 =	slt.u32 s8, $0xFFFFF086  }
0x1c: {  	p1 =	slt.u32 s9, $0xF7A;
	s5 =	simm.s32 @!p2 $0x0  }
0x1d: {  	s5 =	simm.s32 @p1 $0x1;
	p0 =	seq.s32 s7, s2  }
0x1e: {  	s7 =	smul.u32 @!p0 $0xF7A, s2;
	p2 =	seq.s32 @!p0 s5, $0x0  }
0x1f: {  	s9 =	smul.u32 $0xF7A, s1;
	s8 =	simm.s32 @!p0 $0x1BF5;
	p2 =	por !p2, p0  }
0x20: {  	[sflag:s8] =	ssyncset.s32 @!p0 $0xFFFFF086;
	s6 =	sadd.s32 @!p0 s3, s7;
	s7 =	simm.s32 @!p0 $0x108  }
0x21: {  	s3 =	sadd.s32 s3, s9;
	s6 =	sadd.s32 @!p0 $0x88, s6;
	s7 =	simm.s32 @p2 $0x1082  }
0x22: {  	[simem:s7], [sflag:s8] =	dma.local @!p0 [hbm:s6], $0xF7A  }
0x23: {  	s9 =	sor.u32 $0xD0000000, s2;
	s6 =	simm.s32 $0x108;
	_ =	swait.ge @!p0 [sflag:s8], $0x0  }
0x24: {  	s3 =	sadd.s32 $0x88, s3;
	s6 =	simm.s32 @!p1 $0x1082;
	[sflag:s4] =	ssyncset.s32 $0xFFFFF086  }
0x25: {  	[simem:s6], [sflag:s4] =	dma.local [hbm:s3], $0xF7A  }
0x26: {  	[smem:$0x3F9C] =	sst s1;
	(tag) =	ssettag s2;
	_ =	strace s9  }
0x27: {  	s1 =	sld [smem:$0x3FAC]  }
0x28: {  	s2 =	sld [smem:$0x3FAD]  }
0x29: {  	s4 =	sld [smem:$0x3FAF]  }
0x2a: {  	p0 =	seq.s32 s5, $0x0;
	s5 =	sld [smem:$0x3FB0]  }
0x2b: {  	s6 =	sld [smem:$0x3FB1]  }
0x2c: {  	s7 =	sld [smem:$0x3FB2]  }
0x2d: {  	s3 =	simm.s32 $0x108;
	s8 =	sld [smem:$0x3FB3]  }
0x2e: {  	s3 =	simm.s32 @!p0 $0x1082;
	s9 =	sld [smem:$0x3FB4]  }
0x2f: {  	lr =	sadd.s32 s0, s3;
	s0 =	sld [smem:$0x3FAB]  }
0x30: {  	s3 =	sld [smem:$0x3FAE]  }
0x31: {  	[smem:$0x3FB7] =	sst s10  }
0x32: {  	s10 =	sld [smem:$0x3FB5];
	_ =	sdelay $0x3  }
0x33: {  	p0 =	seq.s32 s10, $0x1;
	s10 =	sld [smem:$0x3FB7];
	_ =	sdelay $0x3  }
0x34: {  	[smem:$0x3FB7] =	sst s10  }
0x35: {  	s10 =	sld [smem:$0x3FB6];
	_ =	sdelay $0x3  }
0x36: {  	p1 =	seq.s32 s10, $0x1;
	s10 =	sld [smem:$0x3FB7];
	_ =	sdelay $0x3  }
0x37: {  	[smem:$0x3FB7] =	sst s10  }
0x38: {  	s10 =	sld [smem:$0x3FB8]  }
0x39: {  	_ = 	snop;
	(pc) =	sbr.ind lr, $3  }
0x3a: {  	_ = 	snop  }
0x3b: {  	_ = 	snop  }
0x3c: {  	p2 =	seq.s32 s10, $0x1;
	s10 =	sld [smem:$0x3FB7]  }
0x3d: {  	_ =	shalt  }
0x3e: {  	_ =	shalt  }
0x3f: {  	_ =	shalt  }
0x40: {  	_ =	shalt  }
0x41: {  	_ =	shalt  }
0x42: {  	_ =	shalt  }
0x43: {  	_ =	shalt  }
0x44: {  	_ =	shalt  }
0x45: {  	_ =	shalt  }
0x46: {  	_ =	shalt  }
0x47: {  	_ =	shalt  }
0x48: {  	_ =	shalt  }
0x49: {  	_ =	shalt  }
0x4a: {  	_ =	shalt  }
0x4b: {  	_ =	shalt  }
0x4c: {  	_ =	shalt  }
0x4d: {  	_ =	shalt  }
0x4e: {  	_ =	shalt  }
0x4f: {  	_ =	shalt  }
0x50: {  	_ =	shalt  }
0x51: {  	_ =	shalt  }
0x52: {  	_ =	shalt  }
0x53: {  	_ =	shalt  }
0x54: {  	_ =	shalt  }
0x55: {  	_ =	shalt  }
0x56: {  	_ =	shalt  }
0x57: {  	_ =	shalt  }
0x58: {  	_ =	shalt  }
0x59: {  	_ =	shalt  }
0x5a: {  	_ =	shalt  }
0x5b: {  	_ =	shalt  }
0x5c: {  	_ =	shalt  }
0x5d: {  	_ =	shalt  }
0x5e: {  	_ =	shalt  }
0x5f: {  	_ =	shalt  }
0x60: {  	_ =	shalt  }
0x61: {  	_ =	shalt  }
0x62: {  	_ =	shalt  }
0x63: {  	_ =	shalt  }
0x64: {  	_ =	shalt  }
0x65: {  	_ =	shalt  }
0x66: {  	_ =	shalt  }
0x67: {  	_ =	shalt  }
0x68: {  	_ =	shalt  }
0x69: {  	_ =	shalt  }
0x6a: {  	_ =	shalt  }
0x6b: {  	_ =	shalt  }
0x6c: {  	_ =	shalt  }
0x6d: {  	_ =	shalt  }
0x6e: {  	_ =	shalt  }
0x6f: {  	_ =	shalt  }
0x70: {  	_ =	shalt  }
0x71: {  	_ =	shalt  }
0x72: {  	_ =	shalt  }
0x73: {  	_ =	shalt  }
0x74: {  	_ =	shalt  }
0x75: {  	_ =	shalt  }
0x76: {  	_ =	shalt  }
0x77: {  	_ =	shalt  }
0x78: {  	_ =	shalt  }
0x79: {  	_ =	shalt  }
0x7a: {  	_ =	shalt  }
0x7b: {  	_ =	shalt  }
0x7c: {  	_ =	shalt  }
0x7d: {  	_ =	shalt  }
0x7e: {  	_ =	shalt  }
0x7f: {  	_ =	shalt  }
0x80: {  	_ =	shalt  }
0x81: {  	_ =	shalt  }
0x82: {  	_ =	shalt  }
0x83: {  	_ =	shalt  }
0x84: {  	_ =	shalt  }
0x85: {  	_ =	shalt  }
0x86: {  	_ =	shalt  }
0x87: {  	_ =	shalt  }
.Lfunc_end0:
.L_simem_size_0:
called_computation_lowered:
.L_overlay_start_0:
0x88: {  	s2 =	sld [smem:$0x3FD9]  }
0x89: {  	s3 =	sld [smem:$0x3FFE];
	_ =	sdelay $0x1  }
0x8a: {  	s1 =	srdreg.scid  }
0x8b: {  	s0 =	sand.u32 $0x1, s1  }
0x8c: {  	s17 =	sshll.u32 s0, $0xA;
	s2 =	sadd.s32 s3, s2  }
0x8d: {  	s2 =	sadd.s32 s2, s17  }
0x8e: {  	[smem:$0x3FC3] =	sst s2  }
0x8f: {  	_ = 	snop  }
0x90: {  	s2 =	sld [smem:$0x3FC9]  }
0x91: {  	s18 =	sld [smem:$0x3FD0];
	(tm) =	ssettm $0x1  }
0x92: {  	s4 =	sld [smem:$0x3FFB];
	_ =	sdelay $0x3  }
0x93: {  	_ =	strace s4  }
0x94: {  	s4 =	sld [smem:$0x3FFC];
	_ =	sdelay $0x3  }
0x95: {  	_ =	strace s4  }
0x96: {  	s4 =	sld [smem:$0x3FFD];
	_ =	sdelay $0x3  }
0x97: {  	_ =	strace s4  }
0x98: {  	_ =	strace $0x8FFFFFFF  }
0x99: {  	s19 =	sld [smem:$0x3FDB];
	_ =	sdelay $0x1  }
0x9a: {  	s5 =	simm.s32 $_scs_section_size  }
0x9b: {  	s6 =	simm.s32 $_size__tile_overlayer_lowered;
	s7 =	simm.s32 $_tile_overlayer_lowered  }
0x9c: {  	s22 =	simm.s32 $0x1BFF;
	s21 =	sshll.u32 s7, $0x1;
	s4 =	sadd.s32 s5, s19  }
0x9d: {  	s8 =	simm.s32 $0x0;
	s20 =	sshll.u32 s6, $0x1;
	s6 =	sadd.s32 s21, s4  }
0x9e: {  	[timem:s8], [sflag:s22] =	dma.local [hbm:s6], s20  }
0x9f: {  	_ =	swait.ge [sflag:s22], s20  }
0xa0: {  	s5 =	ssub.s32 $0x0, s20;
	[sflag:s22] =	ssyncset.done $0x0  }
0xa1: {  	[sflag:s22] =	ssyncadd.s32 s5;
	_ =	sdelay $0x1  }
0xa2: {  	s23 =	simm.s32 $0x1B8B  }
0xa3: {  	_ =	swait.ge [sflag:s23], $0x1  }
0xa4: {  	[sflag:s23] =	ssyncset.done $0x0  }
0xa5: {  	s25 =	simm.s32 $0x1B8E;
	s24 =	sld [smem:$0x3FFE];
	[sflag:s23] =	ssyncadd.s32 $0xFFFFFFFF  }
0xa6: {  	s26 =	simm.s32 $execute0_lowered;
	[smem:$0x3FD2] =	sst s25  }
0xa7: {  	s6 =	sshll.u32 s26, $0x1;
	_ =	strace $0x80000046;
	[dreg:$0x1] =	wrdreg $0xFFFFFFFF  }
0xa8: {  	s28 =	simm.s32 $_size_execute0_lowered;
	s4 =	sadd.s32 s4, s6;
	[dreg:$0x0] =	wrdreg $0x0  }
0xa9: {  	s6 =	sshll.u32 s28, $0x1;
	[dreg:$0x2] =	wrdreg s4  }
0xaa: {  	[dreg:$0x3] =	wrdreg s6  }
0xab: {  	[dreg:$0x4] =	wrdreg $0xC0  }
0xac: {  	_ =	task [dreg:s8], $0x5FFFF  }
0xad: {  	[dreg:$0x1] =	wrdreg $0xFFFFFFFF  }
0xae: {  	[dreg:$0x0] =	wrdreg $0x60  }
0xaf: {  	[dreg:$0x2] =	wrdreg s2  }
0xb0: {  	[dreg:$0x3] =	wrdreg s24  }
0xb1: {  	[dreg:$0x4] =	wrdreg s18  }
0xb2: {  	[dreg:$0x5] =	wrdreg $0x0  }
0xb3: {  	[dreg:$0x6] =	wrdreg $0x9  }
0xb4: {  	_ =	task.clear_ibuf [dreg:s8], $0x7FFFF;
	_ =	strace $0x90000046  }
0xb5: {  	s29 =	simm.s32 $0x9;
	_ =	strace $0x80000048  }
0xb6: {  	_ =	swait.ge [sflag:s29], $0x1  }
0xb7: {  	[sflag:s29] =	ssyncadd.s32 $0xFFFFFFFF  }
0xb8: {  	_ =	strace $0x90000048  }
0xb9: {  	_ =	sfence  }
0xba: {  	s30 =	sld [smem:$0x0];
	_ =	sdelay $0x2  }
0xbb: {  	s31 =	sshll.u32 s1, $0xD;
	s1 =	sshrl.u32 s1, $0x2  }
0xbc: {  	s3 =	sand.u32 $0x4000, s31;
	s1 =	sadd.s32 s1, s30  }
0xbd: {  	s0 =	sor.u32 s3, s0;
	s1 =	sshll.u32 s1, $0x11  }
0xbe: {  	s0 =	sor.u32 s1, s0  }
0xbf: {  	s0 =	sadd.s32 $0x8F2B, s0  }
0xc0: {  	[sflag:s0] =	ssyncadd.remote.s32 $0x1  }
0xc1: {  	_ =	sfence.sel $0xFFFF  }
0xc2: {  	[dreg:$0x0] =	wrdreg $0xFFFFFFFF;
	(pc) =	sbr.abs _section_cstart, $3  }
0xc3: {  	[dreg:$0x1] =	wrdreg $0xFFFFFFFF  }
0xc4: {  	_ =	task.clear_ibuf [dreg:s8], $0x2FFFF;
	_ =	strace $0x9FFFFFFF  }
0xc5: {  	(tm) =	ssettm $0x7FFFFFFF  }
tec
execute0_lowered:
.L_overlay_start_1:
0x0: {  	(tag) =	ssettag $0x1  }
0x1: {  	s0 =	rddreg [dreg:$0x0]  }
0x2: {  	s1 =	rddreg [dreg:$0x1]  }
0x3: {  	s3 =	srdreg.scid;
	s13 =	stileid.u32  }
0x4: {  	s2 =	rddreg [dreg:$0x2];
	s4 =	simm.s32 $0x0;
	s12 =	smul.u32 $0x50000, s13  }
0x5: {  	s6 =	sand.u32 $0x1, s3;
	s3 =	rddreg [dreg:$0x3];
	s26 =	smul.u32 $0x2800, s13  }
0x6: {  	s28 =	simm.s32 $0x0;
	[smem:$0x7FF] =	sst s4;
	s31 =	smul.u32 $0x2710, s13  }
0x7: {  	s5 =	sshll.u32 s6, $0x4;
	s8 =	ssub.s32 $0x2, s6;
	s29 =	smul.u32 $0x27100, s6  }
0x8: {  	_ =	strace $0x80000047;
	p0 =	seq.s32 s6, $0x1;
	s6 =	smul.u32 $0x271000, s6  }
0x9: {  	s7 =	sor.u32 s13, s5;
	s10 =	sshrl.u32 s8, $0x1;
	s5 =	sadd.s32 $0x1200, s1  }
0xa: {  	s22 =	sshrl.u32 s12, $0x2;
	s9 =	smul.u32 $0x2710, s7;
	s8 =	ssub.s32 s8, s10  }
0xb: {  	s7 =	smul.u32 $0x27100, s7;
	s12 =	sadd.s32 s22, s3;
	s8 =	smax.u32 s8, $0x1  }
0xc: {  	s30 =	sadd.s32 $0x2000, s12;
	s14 =	sadd.s32 $0x4000, s12;
	[dreg:$0xe] =	wrdreg s8  }
0xd: {  	s15 =	sadd.s32 $0x6000, s12;
	s16 =	sshrl.u32 s9, $0x3;
	[dreg:$0xf] =	wrdreg s30  }
0xe: {  	s17 =	sadd.s32 $0x80, s9;
	s7 =	sadd.s32 s0, s7;
	[dreg:$0x10] =	wrdreg s14  }
0xf: {  	s9 =	sadd.s32 $0x2700, s9;
	s8 =	simm.s32 $0x33000;
	[dreg:$0x11] =	wrdreg s15  }
0x10: {  	s30 =	sadd.s32 $0x10000, s12;
	s14 =	simm.s32 $0x80;
	s15 =	simm.s32 $0x2  }
0x11: {  	s11 =	sadd.s32 s5, s16;
	s10 =	sadd.s32 s2, s16;
	s18 =	sshrl.u32 s17, $0x3  }
0x12: {  	[dreg:$0x7] =	wrdreg s7;
	s21 =	sshll.u32 s17, $0x4;
	s23 =	sshrl.u32 s9, $0x3  }
0x13: {  	s25 =	sshll.u32 s9, $0x4;
	s8 =	simm.s32 @!p0 $0xB000;
	[dreg:$0x17] =	wrdreg s30  }
0x14: {  	s16 =	sadd.s32 s31, s29;
	s17 =	smul.u32 $0x27100, s13;
	[dreg:$0x5] =	wrdreg s11  }
0x15: {  	s29 =	sadd.s32 $0xE000, s12;
	s31 =	sadd.s32 $0x12000, s12;
	[dreg:$0x6] =	wrdreg s10  }
0x16: {  	s9 =	simm.s32 $0x18000;
	s13 =	simm.s32 $0x1;
	[dreg:$0x16] =	wrdreg s29  }
0x17: {  	s19 =	sadd.s32 s5, s18;
	s20 =	sadd.s32 s2, s18;
	[dreg:$0x18] =	wrdreg s31  }
0x18: {  	s7 =	sadd.s32 s0, s21;
	s24 =	sadd.s32 s5, s23;
	[dreg:$0x8] =	wrdreg s19  }
0x19: {  	s1 =	sadd.s32 s8, s1;
	s18 =	sadd.s32 $0x180, s16;
	[dreg:$0x9] =	wrdreg s20  }
0x1a: {  	s21 =	sadd.s32 $0xA000, s12;
	s8 =	simm.s32 $0x1C180;
	[dreg:$0xa] =	wrdreg s7  }
0x1b: {  	s10 =	simm.s32 $0x1CB00;
	s11 =	simm.s32 $0x5;
	[dreg:$0xb] =	wrdreg s24  }
0x1c: {  	s7 =	sadd.s32 s2, s23;
	s1 =	sadd.s32 s1, s26;
	[dreg:$0x14] =	wrdreg s21  }
0x1d: {  	s19 =	sadd.s32 $0x8000, s12;
	s20 =	sshrl.u32 s18, $0x3;
	[dreg:$0xc] =	wrdreg s7  }
0x1e: {  	s26 =	sadd.s32 $0xC000, s12;
	s7 =	sadd.s32 s0, s25;
	[dreg:$0x12] =	wrdreg s1  }
0x1f: {  	s0 =	sadd.s32 s6, s0;
	[dreg:$0x13] =	wrdreg s19;
	s23 =	sadd.s32 s20, s2  }
0x20: {  	s24 =	sadd.s32 s20, s5;
	s25 =	sadd.s32 $0x100, s16;
	[dreg:$0x15] =	wrdreg s26  }
0x21: {  	s1 =	simm.s32 $0x1C100;
	s6 =	simm.s32 $0x14000;
	s16 =	simm.s32 $0x3  }
0x22: {  	s19 =	simm.s32 $0x6;
	[dreg:$0xd] =	wrdreg s7;
	s22 =	sadd.s32 s17, s0  }
0x23: {  	v0 =	vimm.f32 $0.0e+00;
	s0 =	simm.s32 $0x1C000;
	s7 =	simm.s32 $0x1C080;
	s17 =	simm.s32 $0x4  }
.LBB2_1:
0x24: {  	s18 =	rddreg [dreg:$0x5]  }
0x25: {  	[tilespmem:s0], [sflag:$0x1] =	stream.linear.gather [hbm4b:s18+s4], $0x80, $0x38;
	[tilespmem:$0x1EB00] =	vst v63  }
0x26: {  	s20 =	rddreg [dreg:$0x6]  }
0x27: {  	[tilespmem:s1], [sflag:$0x1] =	stream.linear.gather [hbm4b:s20+s4], $0x80, $0x38;
	[tilespmem:$0x1EB00] =	vst v63  }
0x28: {  	s21 =	rddreg [dreg:$0x7]  }
0x29: {  	[tilespmem:s6], [sflag:$0x1] =	stream.linear.gather [hbm4b:s21+s4], $0x4000, $0x38;
	[tilespmem:$0x1EB00] =	vst v63  }
0x2a: {  	s26 =	rddreg [dreg:$0x8]  }
0x2b: {  	[tilespmem:s7], [sflag:$0x2] =	stream.linear.gather [hbm4b:s26+s4], $0x80, $0x38;
	[tilespmem:$0x1EB00] =	vst v63  }
0x2c: {  	s30 =	rddreg [dreg:$0x9]  }
0x2d: {  	[tilespmem:s8], [sflag:$0x2] =	stream.linear.gather [hbm4b:s30+s4], $0x80, $0x38;
	[tilespmem:$0x1EB00] =	vst v63  }
0x2e: {  	s31 =	rddreg [dreg:$0xa];
	s29 =	simm.s32 $0x200;
	s18 =	simm.s32 $0x0  }
0x2f: {  	[tilespmem:s9], [sflag:$0x2] =	stream.linear.gather [hbm4b:s31+s4], $0x4000, $0x38;
	[tilespmem:$0x1EB00] =	vst v63  }
.LBB2_2:
0x30: {  	p0 =	sne.s32 s29, $0x7E00;
	[tilespmem:s18+$0x1CB70] =	vst v0  }
0x31: {  	[tilespmem:s18+$0x1CB00] =	vst v0  }
0x32: {  	[tilespmem:s18+$0x1CB10] =	vst v0  }
.Ltmp0:
0x33: {  	[tilespmem:s18+$0x1CB20] =	vst v0;
	(pc) =	sbr.rel @p0 .LBB2_2-.Ltmp0, $4  }
0x34: {  	[tilespmem:s18+$0x1CB30] =	vst v0  }
0x35: {  	[tilespmem:s18+$0x1CB40] =	vst v0  }
0x36: {  	[tilespmem:s18+$0x1CB50] =	vst v0  }
0x37: {  	[tilespmem:s18+$0x1CB60] =	vst v0;
	s18 =	sshra.s32 s29, $0x2;
	s29 =	sadd.s32 $0x200, s29  }
0x38: {  	[tilespmem:s18+$0x1CB70] =	vst v0  }
0x39: {  	[tilespmem:s18+$0x1CB00] =	vst v0  }
0x3a: {  	[tilespmem:s18+$0x1CB10] =	vst v0  }
0x3b: {  	[tilespmem:s18+$0x1CB20] =	vst v0  }
0x3c: {  	[tilespmem:s18+$0x1CB30] =	vst v0  }
0x3d: {  	[tilespmem:s18+$0x1CB40] =	vst v0  }
0x3e: {  	[tilespmem:s18+$0x1CB50] =	vst v0  }
0x3f: {  	[tilespmem:s18+$0x1CB60] =	vst v0  }
0x40: {  	[spmem:s12] =	stream.linear.scatter [tilespmem:s10], [sflag:$0x5], $0x2000, $0x38;
	[tilespmem:$0x1EB00] =	vst v63  }
0x41: {  	s26 =	rddreg [dreg:$0xf]  }
0x42: {  	[spmem:s26] =	stream.linear.scatter [tilespmem:s10], [sflag:$0x5], $0x2000, $0x38;
	[tilespmem:$0x1EB00] =	vst v63  }
0x43: {  	s20 =	rddreg [dreg:$0x10]  }
0x44: {  	[spmem:s20] =	stream.linear.scatter [tilespmem:s10], [sflag:$0x5], $0x2000, $0x38;
	[tilespmem:$0x1EB00] =	vst v63  }
0x45: {  	s21 =	rddreg [dreg:$0x11]  }
0x46: {  	[spmem:s21] =	stream.linear.scatter [tilespmem:s10], [sflag:$0x5], $0x2000, $0x38;
	[tilespmem:$0x1EB00] =	vst v63  }
0x47: {  	s26 =	rddreg [dreg:$0x13]  }
0x48: {  	[spmem:s26] =	stream.linear.scatter [tilespmem:s10], [sflag:$0x5], $0x2000, $0x38;
	[tilespmem:$0x1EB00] =	vst v63  }
0x49: {  	s20 =	rddreg [dreg:$0x14]  }
0x4a: {  	[spmem:s20] =	stream.linear.scatter [tilespmem:s10], [sflag:$0x5], $0x2000, $0x38;
	[tilespmem:$0x1EB00] =	vst v63  }
0x4b: {  	s21 =	rddreg [dreg:$0x15]  }
0x4c: {  	[spmem:s21] =	stream.linear.scatter [tilespmem:s10], [sflag:$0x5], $0x2000, $0x38;
	[tilespmem:$0x1EB00] =	vst v63  }
0x4d: {  	s26 =	rddreg [dreg:$0x16]  }
0x4e: {  	[spmem:s26] =	stream.linear.scatter [tilespmem:s10], [sflag:$0x5], $0x2000, $0x38;
	[tilespmem:$0x1EB00] =	vst v63  }
0x4f: {  	s20 =	rddreg [dreg:$0x17]  }
0x50: {  	[spmem:s20] =	stream.linear.scatter [tilespmem:s10], [sflag:$0x5], $0x2000, $0x38;
	[tilespmem:$0x1EB00] =	vst v63  }
0x51: {  	s21 =	rddreg [dreg:$0x18]  }
0x52: {  	[spmem:s21] =	stream.linear.scatter [tilespmem:s10], [sflag:$0x5], $0x2000, $0x38;
	[tilespmem:$0x1EB00] =	vst v63  }
0x53: {  	_ =	swait.ge [sflag:s11], $0x2000  }
0x54: {  	[sflag:s11] =	ssyncset.done $0x0  }
0x55: {  	[sflag:s11] =	ssyncadd.s32 $0xFFFFE000  }
0x56: {  	_ =	swait.ge [sflag:s11], $0x2000  }
0x57: {  	[sflag:s11] =	ssyncset.done $0x0  }
0x58: {  	[sflag:s11] =	ssyncadd.s32 $0xFFFFE000  }
0x59: {  	_ =	swait.ge [sflag:s11], $0x2000  }
0x5a: {  	[sflag:s11] =	ssyncset.done $0x0  }
0x5b: {  	[sflag:s11] =	ssyncadd.s32 $0xFFFFE000  }
0x5c: {  	_ =	swait.ge [sflag:s11], $0x2000  }
0x5d: {  	[sflag:s11] =	ssyncset.done $0x0  }
0x5e: {  	[sflag:s11] =	ssyncadd.s32 $0xFFFFE000  }
0x5f: {  	_ =	swait.ge [sflag:s11], $0x2000  }
0x60: {  	[sflag:s11] =	ssyncset.done $0x0  }
0x61: {  	[sflag:s11] =	ssyncadd.s32 $0xFFFFE000  }
0x62: {  	_ =	swait.ge [sflag:s11], $0x2000  }
0x63: {  	[sflag:s11] =	ssyncset.done $0x0  }
0x64: {  	[sflag:s11] =	ssyncadd.s32 $0xFFFFE000  }
0x65: {  	_ =	swait.ge [sflag:s11], $0x2000  }
0x66: {  	[sflag:s11] =	ssyncset.done $0x0  }
0x67: {  	[sflag:s11] =	ssyncadd.s32 $0xFFFFE000  }
0x68: {  	_ =	swait.ge [sflag:s11], $0x2000  }
0x69: {  	[sflag:s11] =	ssyncset.done $0x0  }
0x6a: {  	[sflag:s11] =	ssyncadd.s32 $0xFFFFE000  }
0x6b: {  	_ =	swait.ge [sflag:s11], $0x2000  }
0x6c: {  	[sflag:s11] =	ssyncset.done $0x0  }
0x6d: {  	[sflag:s11] =	ssyncadd.s32 $0xFFFFE000  }
0x6e: {  	_ =	swait.ge [sflag:s11], $0x2000  }
0x6f: {  	[sflag:s11] =	ssyncset.done $0x0  }
0x70: {  	[sflag:s11] =	ssyncadd.s32 $0xFFFFE000  }
0x71: {  	[bflag:$0x0] =	sbarrier.arrive $0xFFFF  }
0x72: {  	_ =	swait.ge [sflag:s13], $0x80  }
0x73: {  	[sflag:s13] =	ssyncset.done $0x0  }
0x74: {  	[sflag:s13] =	ssyncadd.s32 $0xFFFFFF80  }
0x75: {  	_ =	swait.ge [sflag:s13], $0x80  }
0x76: {  	[sflag:s13] =	ssyncset.done $0x0  }
0x77: {  	[sflag:s13] =	ssyncadd.s32 $0xFFFFFF80  }
0x78: {  	_ =	swait.ge [sflag:s13], $0x4000  }
0x79: {  	[sflag:s13] =	ssyncset.done $0x0  }
0x7a: {  	[sflag:s13] =	ssyncadd.s32 $0xFFFFC000  }
0x7b: {  	[spmem:s3] =	stream.indirect.scatter.add.f32 [tilespmem:s6], [sflag:$0x3], $0x80, s0, s14, $0xb8;
	[tilespmem:$0x1EB00] =	vst v63  }
0x7c: {  	_ = 	snop  }
0x7d: {  	[spmem:s3] =	stream.indirect.scatter.add.f32 [tilespmem:s6], [sflag:$0x3], $0x80, s1, s14, $0xb8;
	[tilespmem:$0x1EB00] =	vst v63  }
0x7e: {  	_ =	swait.ge [sflag:s15], $0x80  }
0x7f: {  	[sflag:s15] =	ssyncset.done $0x0  }
0x80: {  	[sflag:s15] =	ssyncadd.s32 $0xFFFFFF80  }
0x81: {  	_ =	swait.ge [sflag:s15], $0x80  }
0x82: {  	[sflag:s15] =	ssyncset.done $0x0  }
0x83: {  	[sflag:s15] =	ssyncadd.s32 $0xFFFFFF80  }
0x84: {  	_ =	swait.ge [sflag:s15], $0x4000  }
0x85: {  	[sflag:s15] =	ssyncset.done $0x0  }
0x86: {  	[sflag:s15] =	ssyncadd.s32 $0xFFFFC000  }
0x87: {  	[spmem:s3] =	stream.indirect.scatter.add.f32 [tilespmem:s9], [sflag:$0x4], $0x80, s7, s14, $0xb8;
	[tilespmem:$0x1EB00] =	vst v63  }
0x88: {  	_ = 	snop  }
0x89: {  	[spmem:s3] =	stream.indirect.scatter.add.f32 [tilespmem:s9], [sflag:$0x4], $0x80, s8, s14, $0xb8;
	[tilespmem:$0x1EB00] =	vst v63  }
0x8a: {  	_ =	swait.ge [sflag:s16], $0x4000  }
0x8b: {  	[sflag:s16] =	ssyncset.done $0x0  }
0x8c: {  	[sflag:s16] =	ssyncadd.s32 $0xFFFFC000  }
0x8d: {  	_ =	swait.ge [sflag:s16], $0x4000  }
0x8e: {  	s26 =	sshrl.u32 s25, $0x3;
	[sflag:s16] =	ssyncset.done $0x0  }
0x8f: {  	s20 =	sadd.s32 s5, s26;
	[sflag:s16] =	ssyncadd.s32 $0xFFFFC000  }
0x90: {  	[tilespmem:s0], [sflag:$0x1] =	stream.linear.gather [hbm4b:s20+s4], $0x80, $0x38;
	[tilespmem:$0x1EB00] =	vst v63  }
0x91: {  	s18 =	sadd.s32 s2, s26;
	s21 =	sadd.s32 $0x0, s22  }
0x92: {  	[tilespmem:s1], [sflag:$0x1] =	stream.linear.gather [hbm4b:s18+s4], $0x80, $0x38;
	[tilespmem:$0x1EB00] =	vst v63  }
0x93: {  	s26 =	sadd.s32 $0x1000, s21  }
0x94: {  	[tilespmem:s6], [sflag:$0x1] =	stream.linear.gather [hbm4b:s26+s4], $0x4000, $0x38;
	[tilespmem:$0x1EB00] =	vst v63  }
0x95: {  	_ =	swait.ge [sflag:s13], $0x80  }
0x96: {  	[sflag:s13] =	ssyncset.done $0x0  }
0x97: {  	[sflag:s13] =	ssyncadd.s32 $0xFFFFFF80  }
0x98: {  	_ =	swait.ge [sflag:s13], $0x80  }
0x99: {  	[sflag:s13] =	ssyncset.done $0x0  }
0x9a: {  	[sflag:s13] =	ssyncadd.s32 $0xFFFFFF80  }
0x9b: {  	_ =	swait.ge [sflag:s13], $0x4000  }
0x9c: {  	[sflag:s13] =	ssyncset.done $0x0  }
0x9d: {  	[sflag:s13] =	ssyncadd.s32 $0xFFFFC000  }
0x9e: {  	[spmem:s3] =	stream.indirect.scatter.add.f32 [tilespmem:s6], [sflag:$0x3], $0x80, s0, s14, $0xb8;
	[tilespmem:$0x1EB00] =	vst v63  }
0x9f: {  	_ = 	snop  }
0xa0: {  	[spmem:s3] =	stream.indirect.scatter.add.f32 [tilespmem:s6], [sflag:$0x3], $0x80, s1, s14, $0xb8;
	[tilespmem:$0x1EB00] =	vst v63  }
0xa1: {  	_ =	swait.ge [sflag:s17], $0x4000  }
0xa2: {  	[sflag:s17] =	ssyncset.done $0x0  }
0xa3: {  	[sflag:s17] =	ssyncadd.s32 $0xFFFFC000  }
0xa4: {  	_ =	swait.ge [sflag:s17], $0x4000  }
0xa5: {  	[sflag:s17] =	ssyncset.done $0x0  }
0xa6: {  	s29 =	simm.s32 $0x1000;
	s30 =	sadd.s32 $0x100, s25;
	[sflag:s17] =	ssyncadd.s32 $0xFFFFC000  }
0xa7: {  	[tilespmem:s7], [sflag:$0x2] =	stream.linear.gather [hbm4b:s24+s4], $0x80, $0x38;
	[tilespmem:$0x1EB00] =	vst v63  }
0xa8: {  	s31 =	sadd.s32 $0x20, s23;
	s20 =	sadd.s32 $0x1800, s21;
	s18 =	sadd.s32 $0x20, s24  }
0xa9: {  	[tilespmem:s8], [sflag:$0x2] =	stream.linear.gather [hbm4b:s23+s4], $0x80, $0x38;
	[tilespmem:$0x1EB00] =	vst v63  }
.LBB2_4:
0xaa: {  	[tilespmem:s9], [sflag:$0x2] =	stream.linear.gather [hbm4b:s20+s4], $0x4000, $0x38;
	[tilespmem:$0x1EB00] =	vst v63  }
0xab: {  	s20 =	smov.u32 s29  }
0xac: {  	p0 =	sne.s32 s29, $0x25000;
	s29 =	sadd.s32 $0x1000, s29;
	_ =	swait.ge [sflag:s15], $0x80  }
0xad: {  	[sflag:s15] =	ssyncset.done $0x0  }
0xae: {  	[sflag:s15] =	ssyncadd.s32 $0xFFFFFF80  }
0xaf: {  	_ =	swait.ge [sflag:s15], $0x80  }
0xb0: {  	[sflag:s15] =	ssyncset.done $0x0  }
0xb1: {  	[sflag:s15] =	ssyncadd.s32 $0xFFFFFF80  }
0xb2: {  	_ =	swait.ge [sflag:s15], $0x4000  }
0xb3: {  	[sflag:s15] =	ssyncset.done $0x0  }
0xb4: {  	[sflag:s15] =	ssyncadd.s32 $0xFFFFC000  }
0xb5: {  	[spmem:s3] =	stream.indirect.scatter.add.f32 [tilespmem:s9], [sflag:$0x4], $0x80, s7, s14, $0xb8;
	[tilespmem:$0x1EB00] =	vst v63  }
0xb6: {  	_ = 	snop  }
0xb7: {  	[spmem:s3] =	stream.indirect.scatter.add.f32 [tilespmem:s9], [sflag:$0x4], $0x80, s8, s14, $0xb8;
	[tilespmem:$0x1EB00] =	vst v63  }
0xb8: {  	_ =	swait.ge [sflag:s16], $0x4000  }
0xb9: {  	[sflag:s16] =	ssyncset.done $0x0  }
0xba: {  	[sflag:s16] =	ssyncadd.s32 $0xFFFFC000  }
0xbb: {  	_ =	swait.ge [sflag:s16], $0x4000  }
0xbc: {  	s26 =	sshrl.u32 s30, $0x3;
	[sflag:s16] =	ssyncset.done $0x0  }
0xbd: {  	s21 =	sadd.s32 s5, s26;
	[sflag:s16] =	ssyncadd.s32 $0xFFFFC000  }
0xbe: {  	[tilespmem:s0], [sflag:$0x1] =	stream.linear.gather [hbm4b:s21+s4], $0x80, $0x38;
	[tilespmem:$0x1EB00] =	vst v63  }
0xbf: {  	s20 =	sadd.s32 s20, s22;
	s21 =	sadd.s32 s2, s26  }
0xc0: {  	[tilespmem:s1], [sflag:$0x1] =	stream.linear.gather [hbm4b:s21+s4], $0x80, $0x38;
	[tilespmem:$0x1EB00] =	vst v63  }
0xc1: {  	s21 =	sadd.s32 $0x1000, s20  }
0xc2: {  	[tilespmem:s6], [sflag:$0x1] =	stream.linear.gather [hbm4b:s21+s4], $0x4000, $0x38;
	[tilespmem:$0x1EB00] =	vst v63  }
0xc3: {  	_ =	swait.ge [sflag:s13], $0x80  }
0xc4: {  	[sflag:s13] =	ssyncset.done $0x0  }
0xc5: {  	[sflag:s13] =	ssyncadd.s32 $0xFFFFFF80  }
0xc6: {  	_ =	swait.ge [sflag:s13], $0x80  }
0xc7: {  	[sflag:s13] =	ssyncset.done $0x0  }
0xc8: {  	[sflag:s13] =	ssyncadd.s32 $0xFFFFFF80  }
0xc9: {  	_ =	swait.ge [sflag:s13], $0x4000  }
0xca: {  	[sflag:s13] =	ssyncset.done $0x0  }
0xcb: {  	[sflag:s13] =	ssyncadd.s32 $0xFFFFC000  }
0xcc: {  	[spmem:s3] =	stream.indirect.scatter.add.f32 [tilespmem:s6], [sflag:$0x3], $0x80, s0, s14, $0xb8;
	[tilespmem:$0x1EB00] =	vst v63  }
0xcd: {  	_ = 	snop  }
0xce: {  	[spmem:s3] =	stream.indirect.scatter.add.f32 [tilespmem:s6], [sflag:$0x3], $0x80, s1, s14, $0xb8;
	[tilespmem:$0x1EB00] =	vst v63  }
0xcf: {  	_ =	swait.ge [sflag:s17], $0x4000  }
0xd0: {  	[sflag:s17] =	ssyncset.done $0x0  }
0xd1: {  	[sflag:s17] =	ssyncadd.s32 $0xFFFFC000  }
0xd2: {  	_ =	swait.ge [sflag:s17], $0x4000  }
0xd3: {  	[sflag:s17] =	ssyncset.done $0x0  }
.Ltmp1:
0xd4: {  	[sflag:s17] =	ssyncadd.s32 $0xFFFFC000;
	(pc) =	sbr.rel @p0 .LBB2_4-.Ltmp1, $4  }
0xd5: {  	[tilespmem:s7], [sflag:$0x2] =	stream.linear.gather [hbm4b:s18+s4], $0x80, $0x38;
	[tilespmem:$0x1EB00] =	vst v63  }
0xd6: {  	s30 =	sadd.s32 $0x100, s30  }
0xd7: {  	[tilespmem:s8], [sflag:$0x2] =	stream.linear.gather [hbm4b:s31+s4], $0x80, $0x38;
	[tilespmem:$0x1EB00] =	vst v63  }
0xd8: {  	s20 =	sadd.s32 $0x1800, s20;
	s18 =	sadd.s32 $0x20, s18;
	s31 =	sadd.s32 $0x20, s31  }
0xd9: {  	[tilespmem:s9], [sflag:$0x2] =	stream.linear.gather [hbm4b:s20+s4], $0x4000, $0x38;
	[tilespmem:$0x1EB00] =	vst v63  }
0xda: {  	_ =	swait.ge [sflag:s15], $0x80  }
0xdb: {  	[sflag:s15] =	ssyncset.done $0x0  }
0xdc: {  	[sflag:s15] =	ssyncadd.s32 $0xFFFFFF80  }
0xdd: {  	_ =	swait.ge [sflag:s15], $0x80  }
0xde: {  	[sflag:s15] =	ssyncset.done $0x0  }
0xdf: {  	[sflag:s15] =	ssyncadd.s32 $0xFFFFFF80  }
0xe0: {  	_ =	swait.ge [sflag:s15], $0x4000  }
0xe1: {  	[sflag:s15] =	ssyncset.done $0x0  }
0xe2: {  	[sflag:s15] =	ssyncadd.s32 $0xFFFFC000  }
0xe3: {  	[spmem:s3] =	stream.indirect.scatter.add.f32 [tilespmem:s9], [sflag:$0x4], $0x80, s7, s14, $0xb8;
	[tilespmem:$0x1EB00] =	vst v63  }
0xe4: {  	_ = 	snop  }
0xe5: {  	[spmem:s3] =	stream.indirect.scatter.add.f32 [tilespmem:s9], [sflag:$0x4], $0x80, s8, s14, $0xb8;
	[tilespmem:$0x1EB00] =	vst v63  }
0xe6: {  	_ =	swait.ge [sflag:s16], $0x4000  }
0xe7: {  	[sflag:s16] =	ssyncset.done $0x0  }
0xe8: {  	[sflag:s16] =	ssyncadd.s32 $0xFFFFC000  }
0xe9: {  	_ =	swait.ge [sflag:s16], $0x4000  }
0xea: {  	[sflag:s16] =	ssyncset.done $0x0  }
0xeb: {  	s20 =	simm.s32 $0x1CA00;
	s18 =	rddreg [dreg:$0xb];
	[sflag:s16] =	ssyncadd.s32 $0xFFFFC000  }
0xec: {  	[tilespmem:s20], [sflag:$0x6] =	stream.linear.gather [hbm4b:s18+s4], $0x10, $0x38;
	[tilespmem:$0x1EB00] =	vst v63  }
0xed: {  	_ =	swait.ge [sflag:s19], $0x10  }
0xee: {  	[sflag:s19] =	ssyncset.done $0x0  }
0xef: {  	s21 =	simm.s32 $0x1CA80;
	s29 =	rddreg [dreg:$0xc];
	[sflag:s19] =	ssyncadd.s32 $0xFFFFFFF0  }
0xf0: {  	[tilespmem:s21], [sflag:$0x6] =	stream.linear.gather [hbm4b:s29+s4], $0x10, $0x38;
	[tilespmem:$0x1EB00] =	vst v63  }
0xf1: {  	_ =	swait.ge [sflag:s19], $0x10  }
0xf2: {  	[sflag:s19] =	ssyncset.done $0x0  }
0xf3: {  	s26 =	simm.s32 $0x1C200;
	s30 =	rddreg [dreg:$0xd];
	[sflag:s19] =	ssyncadd.s32 $0xFFFFFFF0  }
0xf4: {  	[tilespmem:s26], [sflag:$0x6] =	stream.linear.gather [hbm4b:s30+s4], $0x800, $0x38;
	[tilespmem:$0x1EB00] =	vst v63  }
0xf5: {  	_ =	swait.ge [sflag:s19], $0x800  }
0xf6: {  	[sflag:s19] =	ssyncset.done $0x0  }
0xf7: {  	[sflag:s19] =	ssyncadd.s32 $0xFFFFF800  }
0xf8: {  	_ =	swait.ge [sflag:s17], $0x4000  }
0xf9: {  	[sflag:s17] =	ssyncset.done $0x0  }
0xfa: {  	[sflag:s17] =	ssyncadd.s32 $0xFFFFC000  }
0xfb: {  	_ =	swait.ge [sflag:s17], $0x4000  }
0xfc: {  	[sflag:s17] =	ssyncset.done $0x0  }
0xfd: {  	s31 =	simm.s32 $0x10;
	[sflag:s17] =	ssyncadd.s32 $0xFFFFC000  }
0xfe: {  	[spmem:s3] =	stream.indirect.scatter.add.f32 [tilespmem:s26], [sflag:$0x6], $0x80, s20, s31, $0xb8;
	[tilespmem:$0x1EB00] =	vst v63  }
0xff: {  	_ =	swait.ge [sflag:s19], $0x800  }
0x100: {  	[sflag:s19] =	ssyncset.done $0x0  }
0x101: {  	[sflag:s19] =	ssyncadd.s32 $0xFFFFF800  }
0x102: {  	[spmem:s3] =	stream.indirect.scatter.add.f32 [tilespmem:s26], [sflag:$0x6], $0x80, s21, s31, $0xb8;
	[tilespmem:$0x1EB00] =	vst v63  }
0x103: {  	_ =	swait.ge [sflag:s19], $0x800  }
0x104: {  	[sflag:s19] =	ssyncset.done $0x0  }
0x105: {  	s26 =	stileid.u32;
	[sflag:s19] =	ssyncadd.s32 $0xFFFFF800  }
0x106: {  	s18 =	sshll.u32 s26, $0x6;
	[bflag:$0x0] =	sbarrier.arrive $0xFFFF  }
0x107: {  	s29 =	sshrl.u32 s12, $0x3;
	s18 =	sor.u32 $0x1C06, s18;
	s30 =	rddreg [dreg:$0x12]  }
0x108: {  	[hbm:s30], [sflag:s18] =	dma.local [spmem:s29], $0x2800  }
0x109: {  	_ =	swait.ge [sflag:s19], $0x2800  }
0x10a: {  	s28 =	sadd.s32 $0x1, s28;
	s31 =	rddreg [dreg:$0xe]  }
0x10b: {  	p0 =	sne.s32 s28, s31  }
.Ltmp2:
0x10c: {  	_ = 	snop;
	(pc) =	sbr.rel @p0 .LBB2_1-.Ltmp2, $3  }
0x10d: {  	_ =	sdelay $0x1  }
0x10e: {  	[sflag:s19] =	ssyncset.done $0x0  }
0x10f: {  	[sflag:s19] =	ssyncadd.s32 $0xFFFFD800  }
0x110: {  	_ =	sfence.sel $0x180000  }
0x111: {  	[bflag:$0x0] =	sbarrier.arrive $0xFFFF  }
0x112: {  	_ =	strace $0x90000047  }
0x113: {  	s0 =	stileid.u32;
	[bflag:$0x2] =	sbarrier.arrive $0xFFFF  }
0x114: {  	p0 =	sne.s32 s0, $0x0;
	s0 =	rddreg [dreg:$0x4]  }
0x115: {  	s0 =	sadd.s32 @!p0 $0x100000, s0  }
0x116: {  	[sflag:s0] =	ssyncadd.tile.s32 @!p0 $0x1;
	_ =	shalt  }
.Lfunc_end2:
_tile_overlayer_lowered:
.L_overlay_start_2:
0x117: {  	(tag) =	ssettag $0x2  }
0x118: {  	s0 =	rddreg [dreg:$0x0];
	s2 =	stileid.u32  }
0x119: {  	s1 =	rddreg [dreg:$0x1];
	p0 =	sne.s32 s2, $0x0  }
0x11a: {  	s3 =	rddreg [dreg:$0x2];
	[bflag:$0x3] =	sbarrier.arrive $0xFFFF;
	s2 =	simm.s32 @!p0 $0x1C06  }
0x11b: {  	[timem:s3], [sflag:s2] =	dma.local @!p0 [hbm:s0], s1  }
0x11c: {  	s0 =	simm.s32 @!p0 $0x6  }
0x11d: {  	_ =	swait.ge @!p0 [sflag:s0], s1  }
0x11e: {  	s1 =	ssub.s32 @!p0 $0x0, s1;
	[sflag:s0] =	ssyncset.done @!p0 $0x0  }
0x11f: {  	[sflag:s0] =	ssyncadd.s32 @!p0 s1  }
0x120: {  	[bflag:$0x3] =	sbarrier.arrive $0xFFFF  }
0x121: {  	_ =	shalt  }

</sc_bundles>
